<compile_context>
chip_gen: v7x
topology: tpu7x:2x2x1
jax: 0.10.2.dev20260603
libtpu: 0.0.44.dev20260713+nightly
codegen_flags: <defaults>
</compile_context>

<pallas_src>
import functools

import jax
import jax.numpy as jnp
from jax import lax
from jax.experimental import pallas as pl
from jax.experimental.pallas import tpu as pltpu
from jax.experimental.pallas import tpu_sc as plsc

P = 1024
O = 512
VOCAB = 200
RPAD = 256
R = 512
NC, NS = 2, 16
NW = NC * NS
CH = 32
B_SC = 7168
B_TOT = 16384
B_TC = B_TOT - B_SC


def _precompute_body(e0_ref, e1_ref, w1a_ref, w1b_ref, b1_ref, tt_ref):
    w1a = w1a_ref[...].astype(jnp.bfloat16)
    w1b = w1b_ref[...].astype(jnp.bfloat16)
    t0 = jnp.dot(e0_ref[...].astype(jnp.bfloat16), w1a,
                 preferred_element_type=jnp.float32)
    t1 = jnp.dot(e1_ref[...].astype(jnp.bfloat16), w1b,
                 preferred_element_type=jnp.float32)
    tt_ref[0:VOCAB, :] = t0.astype(jnp.bfloat16)
    tt_ref[RPAD:RPAD + VOCAB, :] = (t1 + b1_ref[...]).astype(jnp.bfloat16)
    zeros = jnp.zeros((RPAD - VOCAB, tt_ref.shape[1]), jnp.bfloat16)
    tt_ref[VOCAB:RPAD, :] = zeros
    tt_ref[RPAD + VOCAB:2 * RPAD, :] = zeros


def _onehot_body(i0_ref, i1_ref, tt_ref, w2_ref, b2_ref, out_ref):
    iv = i0_ref[...]
    jv = i1_ref[...] + RPAD
    rows = jax.lax.broadcasted_iota(jnp.int32, (2 * RPAD, R), 0)
    oht = ((rows == iv[None, :]) | (rows == jv[None, :])).astype(jnp.bfloat16)
    g = jax.lax.dot_general(oht, tt_ref[...], (((0,), (0,)), ((), ())),
                            preferred_element_type=jnp.float32)
    h = jnp.maximum(g, 0.0).astype(jnp.bfloat16)
    out_ref[...] = jnp.dot(h, w2_ref[...], preferred_element_type=jnp.float32) + b2_ref[...]


def _consume_body(g0_ref, g1_ref, w2p_ref, b2_ref, out_ref):
    a = g0_ref[...]
    b = g1_ref[...]
    even = (jax.lax.bitcast_convert_type(a << 16, jnp.float32)
            + jax.lax.bitcast_convert_type(b << 16, jnp.float32))
    hi_mask = jnp.int32(-65536)
    odd = (jax.lax.bitcast_convert_type(a & hi_mask, jnp.float32)
           + jax.lax.bitcast_convert_type(b & hi_mask, jnp.float32))
    h = jnp.concatenate(
        [jnp.maximum(even, 0.0).astype(jnp.bfloat16),
         jnp.maximum(odd, 0.0).astype(jnp.bfloat16)], axis=1)
    out_ref[...] = (jnp.dot(h, w2p_ref[...], preferred_element_type=jnp.float32)
                    + b2_ref[...])


def _sc_gather(tt_hbm, i0_hbm, i1_hbm, g0_hbm, g1_hbm,
               idx_a, idx_b, buf_a, buf_b, sem_a, sem_b):
    nchunk = B_SC // NW // CH
    wid = lax.axis_index("s") * NC + lax.axis_index("c")
    out_base = wid * (CH * nchunk)
    idx_base = B_TC + out_base
    idxs = (idx_a, idx_b)
    bufs = (buf_a, buf_b)
    sems = (sem_a, sem_b)

    def start(c):
        s = c % 2
        pltpu.sync_copy(i0_hbm.at[pl.ds(idx_base + c * CH, CH)],
                        idxs[s].at[pl.ds(0, CH)])
        pltpu.sync_copy(i1_hbm.at[pl.ds(idx_base + c * CH, CH)],
                        idxs[s].at[pl.ds(CH, CH)])
        return pltpu.async_copy(tt_hbm.at[idxs[s]], bufs[s], sems[s])

    copies = {0: start(0)}
    for c in range(nchunk):
        if c + 1 < nchunk:
            copies[c + 1] = start(c + 1)
        copies.pop(c).wait()
        s = c % 2
        pltpu.sync_copy(bufs[s].at[pl.ds(0, CH)],
                        g0_hbm.at[pl.ds(out_base + c * CH, CH)])
        pltpu.sync_copy(bufs[s].at[pl.ds(CH, CH)],
                        g1_hbm.at[pl.ds(out_base + c * CH, CH)])


def kernel(x, E0, E1, W1, b1, W2, b2):
    B = x.shape[0]

    tt = pl.pallas_call(
        _precompute_body,
        out_shape=jax.ShapeDtypeStruct((2 * RPAD, P), jnp.bfloat16),
    )(E0, E1, W1[:P], W1[P:], b1.reshape(1, P))

    i0 = x[:, 0].astype(jnp.int32)
    i1 = x[:, 1].astype(jnp.int32)

    tt_i32 = jax.lax.bitcast_convert_type(
        tt.reshape(2 * RPAD, P // 2, 2), jnp.int32)

    mesh = plsc.VectorSubcoreMesh(core_axis_name="c", subcore_axis_name="s",
                                  num_cores=NC, num_subcores=NS)
    g0, g1 = pl.kernel(
        _sc_gather,
        out_type=[jax.ShapeDtypeStruct((B_SC, P // 2), jnp.int32),
                  jax.ShapeDtypeStruct((B_SC, P // 2), jnp.int32)],
        mesh=mesh,
        scratch_types=[
            pltpu.VMEM((2 * CH,), jnp.int32),
            pltpu.VMEM((2 * CH,), jnp.int32),
            pltpu.VMEM((2 * CH, P // 2), jnp.int32),
            pltpu.VMEM((2 * CH, P // 2), jnp.int32),
            pltpu.SemaphoreType.DMA,
            pltpu.SemaphoreType.DMA,
        ],
    )(tt_i32, i0, i1 + RPAD)

    w2b = W2.astype(jnp.bfloat16)
    w2p = W2.reshape(P // 2, 2, O).swapaxes(0, 1).reshape(P, O).astype(jnp.bfloat16)
    b2r = b2.reshape(1, O)

    n_tc = B_TC // R
    out_tc = pl.pallas_call(
        _onehot_body,
        grid=(n_tc,),
        in_specs=[
            pl.BlockSpec((R,), lambda i: (i,)),
            pl.BlockSpec((R,), lambda i: (i,)),
            pl.BlockSpec((2 * RPAD, P), lambda i: (0, 0)),
            pl.BlockSpec((P, O), lambda i: (0, 0)),
            pl.BlockSpec((1, O), lambda i: (0, 0)),
        ],
        out_specs=pl.BlockSpec((R, O), lambda i: (i, 0)),
        out_shape=jax.ShapeDtypeStruct((B_TC, O), jnp.float32),
    )(i0, i1, tt, w2b, b2r)

    n_sc = B_SC // R
    out_sc = pl.pallas_call(
        _consume_body,
        grid=(n_sc,),
        in_specs=[
            pl.BlockSpec((R, P // 2), lambda i: (i, 0)),
            pl.BlockSpec((R, P // 2), lambda i: (i, 0)),
            pl.BlockSpec((P, O), lambda i: (0, 0)),
            pl.BlockSpec((1, O), lambda i: (0, 0)),
        ],
        out_specs=pl.BlockSpec((R, O), lambda i: (i, 0)),
        out_shape=jax.ShapeDtypeStruct((B_SC, O), jnp.float32),
    )(g0, g1, w2p, b2r)

    return jnp.concatenate([out_tc, out_sc], axis=0)

# --- scband reference (transcript-rebuilt; emitter-appended) ---
"""Pipeline reference for scband-model-2688649527349 (READ-ONLY COPY).

The authoritative reference and input builder live on the scoring server;
editing this copy changes nothing except your own understanding.
"""

import jax, jax.numpy as jnp
import numpy as np

P = 1024
O = 512
B = 16384
VOCAB = 200

def setup_inputs(seed: int = 0) -> dict:
    key = jax.random.key(seed)
    k_x, k_e0, k_e1, k_w1, k_b1, k_w2, k_b2 = jax.random.split(key, 7)
    x = jax.random.randint(k_x, (B, 2), 0, VOCAB, dtype=jnp.int64) if jax.config.jax_enable_x64 else jax.random.randint(k_x, (B, 2), 0, VOCAB, dtype=jnp.int32)
    E0 = jax.random.normal(k_e0, (VOCAB, P), dtype=jnp.float32)
    E1 = jax.random.normal(k_e1, (VOCAB, P), dtype=jnp.float32)
    W1 = jax.random.normal(k_w1, (2 * P, P), dtype=jnp.float32) * (1.0 / np.sqrt(2 * P))
    b1 = jnp.zeros((P,), dtype=jnp.float32)
    W2 = jax.random.normal(k_w2, (P, O), dtype=jnp.float32) * (1.0 / np.sqrt(P))
    b2 = jnp.zeros((O,), dtype=jnp.float32)
    return {"x": x, "E0": E0, "E1": E1, "W1": W1, "b1": b1, "W2": W2, "b2": b2}

def reference(x, E0, E1, W1, b1, W2, b2):
    # embedding lookups (gather) then concat along feature dim
    h0 = jnp.take(E0, x[:, 0], axis=0)
    h1 = jnp.take(E1, x[:, 1], axis=0)
    h = jnp.concatenate([h0, h1], axis=-1)
    # Linear(2p, p) + ReLU + Linear(p, o)
    h = jnp.maximum(h @ W1 + b1, 0.0)
    out = h @ W2 + b2
    return out

if __name__ == "__main__":
    import jax
    _d = setup_inputs()
    print(jax.jit(kernel)(*tuple(_d.values())))

</pallas_src>

<mosaic_0001>
#map = affine_map<(d0, d1) -> (0, 0)>
#map1 = affine_map<(d0, d1) -> (0)>
module attributes {stable_mosaic.version = 14 : i64} {
  func.func @_sc_gather(%arg0: i32, %arg1: i32, %arg2: memref<512x512xi32, #tpu.memory_space<hbm>>, %arg3: memref<16384xi32, #tpu.memory_space<hbm>>, %arg4: memref<16384xi32, #tpu.memory_space<hbm>>, %arg5: memref<7168x512xi32, #tpu.memory_space<hbm>>, %arg6: memref<7168x512xi32, #tpu.memory_space<hbm>>, %arg7: memref<64xi32, #tpu.memory_space<vmem>>, %arg8: memref<64xi32, #tpu.memory_space<vmem>>, %arg9: memref<64x512xi32, #tpu.memory_space<vmem>>, %arg10: memref<64x512xi32, #tpu.memory_space<vmem>>, %arg11: memref<!tpu.dma_semaphore, #tpu.memory_space<semaphore_mem>>, %arg12: memref<!tpu.dma_semaphore, #tpu.memory_space<semaphore_mem>>) attributes {dimension_semantics = [#tpu.dimension_semantics<core_parallel>, #tpu.dimension_semantics<subcore_parallel>], iteration_bounds = array<i64: 2, 16>, scalar_prefetch = 0 : i64, scratch_operands = 6 : i64, tpu.core_type = #tpu.core_type<sc_vector_subcore>, window_params = [{transform_indices = #map}, {transform_indices = #map1}, {transform_indices = #map1}, {transform_indices = #map}, {transform_indices = #map}]} {
    %mul3A = arith.constant 2 : i32
    %mul3A_0 = arith.muli %arg1, %mul3A : i32
    %add3A = arith.addi %mul3A_0, %arg0 : i32
    %mul3A_1 = arith.constant 224 : i32
    %mul3A_2 = arith.muli %add3A, %mul3A_1 : i32
    %add3A_3 = arith.constant 9216 : i32
    %add3A_4 = arith.addi %add3A_3, %mul3A_2 : i32
    %add3A_5 = arith.constant 0 : i32
    %add3A_6 = arith.addi %add3A_4, %add3A_5 : i32
    "tpu.region"() ({
      %run_scoped3A = tpu.sem_alloc : memref<!tpu.dma_semaphore, #tpu.memory_space<semaphore_mem>>
      %dma_start3A_101 = arith.constant 0 : i32
      %dma_start3A_102 = tpu.memref_slice %arg7[%dma_start3A_101] : memref<64xi32, #tpu.memory_space<vmem>> -> memref<32xi32, #tpu.memory_space<vmem>>
      %dma_start3A_103 = tpu.memref_slice %arg3[%add3A_6] : memref<16384xi32, #tpu.memory_space<hbm>> -> memref<32xi32, #tpu.memory_space<hbm>>
      %dma_start3A_104 = arith.constant 0 : i32
      %dma_start3A_105 = tpu.memref_slice %arg7[%dma_start3A_104] : memref<64xi32, #tpu.memory_space<vmem>> -> memref<32xi32, #tpu.memory_space<vmem>>
      %dma_start3A_106 = tpu.memref_slice %arg3[%add3A_6] : memref<16384xi32, #tpu.memory_space<hbm>> -> memref<32xi32, #tpu.memory_space<hbm>>
      tpu.enqueue_dma source(%dma_start3A_106 : memref<32xi32, #tpu.memory_space<hbm>>) target(%dma_start3A_105 : memref<32xi32, #tpu.memory_space<vmem>>) target_semaphore(%run_scoped3A : memref<!tpu.dma_semaphore, #tpu.memory_space<semaphore_mem>>)
      %dma_wait3A_107 = arith.constant 0 : i32
      %dma_wait3A_108 = tpu.memref_slice %arg7[%dma_wait3A_107] : memref<64xi32, #tpu.memory_space<vmem>> -> memref<32xi32, #tpu.memory_space<vmem>>
      %dma_wait3A_109 = tpu.memref_slice %arg3[%add3A_6] : memref<16384xi32, #tpu.memory_space<hbm>> -> memref<32xi32, #tpu.memory_space<hbm>>
      %dma_wait3A_110 = arith.constant 0 : i32
      %dma_wait3A_111 = tpu.memref_slice %arg7[%dma_wait3A_110] : memref<64xi32, #tpu.memory_space<vmem>> -> memref<32xi32, #tpu.memory_space<vmem>>
      %dma_wait3A_112 = tpu.memref_slice %arg3[%add3A_6] : memref<16384xi32, #tpu.memory_space<hbm>> -> memref<32xi32, #tpu.memory_space<hbm>>
      tpu.wait_dma2 semaphore(%run_scoped3A : memref<!tpu.dma_semaphore, #tpu.memory_space<semaphore_mem>>) src(%dma_wait3A_112 : memref<32xi32, #tpu.memory_space<hbm>>) dst(%dma_wait3A_111 : memref<32xi32, #tpu.memory_space<vmem>>)
      tpu.yield
    }) : () -> ()
    %add3A_7 = arith.constant 0 : i32
    %add3A_8 = arith.addi %add3A_4, %add3A_7 : i32
    "tpu.region"() ({
      %run_scoped3A = tpu.sem_alloc : memref<!tpu.dma_semaphore, #tpu.memory_space<semaphore_mem>>
      %dma_start3A_101 = arith.constant 32 : i32
      %dma_start3A_102 = tpu.memref_slice %arg7[%dma_start3A_101] : memref<64xi32, #tpu.memory_space<vmem>> -> memref<32xi32, #tpu.memory_space<vmem>>
      %dma_start3A_103 = tpu.memref_slice %arg4[%add3A_8] : memref<16384xi32, #tpu.memory_space<hbm>> -> memref<32xi32, #tpu.memory_space<hbm>>
      %dma_start3A_104 = arith.constant 32 : i32
      %dma_start3A_105 = tpu.memref_slice %arg7[%dma_start3A_104] : memref<64xi32, #tpu.memory_space<vmem>> -> memref<32xi32, #tpu.memory_space<vmem>>
      %dma_start3A_106 = tpu.memref_slice %arg4[%add3A_8] : memref<16384xi32, #tpu.memory_space<hbm>> -> memref<32xi32, #tpu.memory_space<hbm>>
      tpu.enqueue_dma source(%dma_start3A_106 : memref<32xi32, #tpu.memory_space<hbm>>) target(%dma_start3A_105 : memref<32xi32, #tpu.memory_space<vmem>>) target_semaphore(%run_scoped3A : memref<!tpu.dma_semaphore, #tpu.memory_space<semaphore_mem>>)
      %dma_wait3A_107 = arith.constant 32 : i32
      %dma_wait3A_108 = tpu.memref_slice %arg7[%dma_wait3A_107] : memref<64xi32, #tpu.memory_space<vmem>> -> memref<32xi32, #tpu.memory_space<vmem>>
      %dma_wait3A_109 = tpu.memref_slice %arg4[%add3A_8] : memref<16384xi32, #tpu.memory_space<hbm>> -> memref<32xi32, #tpu.memory_space<hbm>>
      %dma_wait3A_110 = arith.constant 32 : i32
      %dma_wait3A_111 = tpu.memref_slice %arg7[%dma_wait3A_110] : memref<64xi32, #tpu.memory_space<vmem>> -> memref<32xi32, #tpu.memory_space<vmem>>
      %dma_wait3A_112 = tpu.memref_slice %arg4[%add3A_8] : memref<16384xi32, #tpu.memory_space<hbm>> -> memref<32xi32, #tpu.memory_space<hbm>>
      tpu.wait_dma2 semaphore(%run_scoped3A : memref<!tpu.dma_semaphore, #tpu.memory_space<semaphore_mem>>) src(%dma_wait3A_112 : memref<32xi32, #tpu.memory_space<hbm>>) dst(%dma_wait3A_111 : memref<32xi32, #tpu.memory_space<vmem>>)
      tpu.yield
    }) : () -> ()
    %dma_start3A = arith.constant 0 : i32
    %dma_start3A_9 = arith.constant 0 : i32
    %dma_start3A_10 = tpu.memref_slice %arg2[%dma_start3A, %dma_start3A_9] : memref<512x512xi32, #tpu.memory_space<hbm>> -> memref<512x512xi32, #tpu.memory_space<hbm>>
    tpu.enqueue_indirect_dma source(%dma_start3A_10 : memref<512x512xi32, #tpu.memory_space<hbm>>) target(%arg9 : memref<64x512xi32, #tpu.memory_space<vmem>>) offsets(%arg7 : memref<64xi32, #tpu.memory_space<vmem>>) semaphore(%arg11 : memref<!tpu.dma_semaphore, #tpu.memory_space<semaphore_mem>>)
    %add3A_11 = arith.constant 32 : i32
    %add3A_12 = arith.addi %add3A_4, %add3A_11 : i32
    "tpu.region"() ({
      %run_scoped3A = tpu.sem_alloc : memref<!tpu.dma_semaphore, #tpu.memory_space<semaphore_mem>>
      %dma_start3A_101 = arith.constant 0 : i32
      %dma_start3A_102 = tpu.memref_slice %arg8[%dma_start3A_101] : memref<64xi32, #tpu.memory_space<vmem>> -> memref<32xi32, #tpu.memory_space<vmem>>
      %dma_start3A_103 = tpu.memref_slice %arg3[%add3A_12] : memref<16384xi32, #tpu.memory_space<hbm>> -> memref<32xi32, #tpu.memory_space<hbm>>
      %dma_start3A_104 = arith.constant 0 : i32
      %dma_start3A_105 = tpu.memref_slice %arg8[%dma_start3A_104] : memref<64xi32, #tpu.memory_space<vmem>> -> memref<32xi32, #tpu.memory_space<vmem>>
      %dma_start3A_106 = tpu.memref_slice %arg3[%add3A_12] : memref<16384xi32, #tpu.memory_space<hbm>> -> memref<32xi32, #tpu.memory_space<hbm>>
      tpu.enqueue_dma source(%dma_start3A_106 : memref<32xi32, #tpu.memory_space<hbm>>) target(%dma_start3A_105 : memref<32xi32, #tpu.memory_space<vmem>>) target_semaphore(%run_scoped3A : memref<!tpu.dma_semaphore, #tpu.memory_space<semaphore_mem>>)
      %dma_wait3A_107 = arith.constant 0 : i32
      %dma_wait3A_108 = tpu.memref_slice %arg8[%dma_wait3A_107] : memref<64xi32, #tpu.memory_space<vmem>> -> memref<32xi32, #tpu.memory_space<vmem>>
      %dma_wait3A_109 = tpu.memref_slice %arg3[%add3A_12] : memref<16384xi32, #tpu.memory_space<hbm>> -> memref<32xi32, #tpu.memory_space<hbm>>
      %dma_wait3A_110 = arith.constant 0 : i32
      %dma_wait3A_111 = tpu.memref_slice %arg8[%dma_wait3A_110] : memref<64xi32, #tpu.memory_space<vmem>> -> memref<32xi32, #tpu.memory_space<vmem>>
      %dma_wait3A_112 = tpu.memref_slice %arg3[%add3A_12] : memref<16384xi32, #tpu.memory_space<hbm>> -> memref<32xi32, #tpu.memory_space<hbm>>
      tpu.wait_dma2 semaphore(%run_scoped3A : memref<!tpu.dma_semaphore, #tpu.memory_space<semaphore_mem>>) src(%dma_wait3A_112 : memref<32xi32, #tpu.memory_space<hbm>>) dst(%dma_wait3A_111 : memref<32xi32, #tpu.memory_space<vmem>>)
      tpu.yield
    }) : () -> ()
    %add3A_13 = arith.constant 32 : i32
    %add3A_14 = arith.addi %add3A_4, %add3A_13 : i32
    "tpu.region"() ({
      %run_scoped3A = tpu.sem_alloc : memref<!tpu.dma_semaphore, #tpu.memory_space<semaphore_mem>>
      %dma_start3A_101 = arith.constant 32 : i32
      %dma_start3A_102 = tpu.memref_slice %arg8[%dma_start3A_101] : memref<64xi32, #tpu.memory_space<vmem>> -> memref<32xi32, #tpu.memory_space<vmem>>
      %dma_start3A_103 = tpu.memref_slice %arg4[%add3A_14] : memref<16384xi32, #tpu.memory_space<hbm>> -> memref<32xi32, #tpu.memory_space<hbm>>
      %dma_start3A_104 = arith.constant 32 : i32
      %dma_start3A_105 = tpu.memref_slice %arg8[%dma_start3A_104] : memref<64xi32, #tpu.memory_space<vmem>> -> memref<32xi32, #tpu.memory_space<vmem>>
      %dma_start3A_106 = tpu.memref_slice %arg4[%add3A_14] : memref<16384xi32, #tpu.memory_space<hbm>> -> memref<32xi32, #tpu.memory_space<hbm>>
      tpu.enqueue_dma source(%dma_start3A_106 : memref<32xi32, #tpu.memory_space<hbm>>) target(%dma_start3A_105 : memref<32xi32, #tpu.memory_space<vmem>>) target_semaphore(%run_scoped3A : memref<!tpu.dma_semaphore, #tpu.memory_space<semaphore_mem>>)
      %dma_wait3A_107 = arith.constant 32 : i32
      %dma_wait3A_108 = tpu.memref_slice %arg8[%dma_wait3A_107] : memref<64xi32, #tpu.memory_space<vmem>> -> memref<32xi32, #tpu.memory_space<vmem>>
      %dma_wait3A_109 = tpu.memref_slice %arg4[%add3A_14] : memref<16384xi32, #tpu.memory_space<hbm>> -> memref<32xi32, #tpu.memory_space<hbm>>
      %dma_wait3A_110 = arith.constant 32 : i32
      %dma_wait3A_111 = tpu.memref_slice %arg8[%dma_wait3A_110] : memref<64xi32, #tpu.memory_space<vmem>> -> memref<32xi32, #tpu.memory_space<vmem>>
      %dma_wait3A_112 = tpu.memref_slice %arg4[%add3A_14] : memref<16384xi32, #tpu.memory_space<hbm>> -> memref<32xi32, #tpu.memory_space<hbm>>
      tpu.wait_dma2 semaphore(%run_scoped3A : memref<!tpu.dma_semaphore, #tpu.memory_space<semaphore_mem>>) src(%dma_wait3A_112 : memref<32xi32, #tpu.memory_space<hbm>>) dst(%dma_wait3A_111 : memref<32xi32, #tpu.memory_space<vmem>>)
      tpu.yield
    }) : () -> ()
    %dma_start3A_15 = arith.constant 0 : i32
    %dma_start3A_16 = arith.constant 0 : i32
    %dma_start3A_17 = tpu.memref_slice %arg2[%dma_start3A_15, %dma_start3A_16] : memref<512x512xi32, #tpu.memory_space<hbm>> -> memref<512x512xi32, #tpu.memory_space<hbm>>
    tpu.enqueue_indirect_dma source(%dma_start3A_17 : memref<512x512xi32, #tpu.memory_space<hbm>>) target(%arg10 : memref<64x512xi32, #tpu.memory_space<vmem>>) offsets(%arg8 : memref<64xi32, #tpu.memory_space<vmem>>) semaphore(%arg12 : memref<!tpu.dma_semaphore, #tpu.memory_space<semaphore_mem>>)
    %dma_wait3A = arith.constant 0 : i32
    %dma_wait3A_18 = arith.constant 0 : i32
    %dma_wait3A_19 = tpu.memref_slice %arg2[%dma_wait3A, %dma_wait3A_18] : memref<512x512xi32, #tpu.memory_space<hbm>> -> memref<512x512xi32, #tpu.memory_space<hbm>>
    tpu.wait_indirect_dma semaphore(%arg11 : memref<!tpu.dma_semaphore, #tpu.memory_space<semaphore_mem>>) src(%dma_wait3A_19 : memref<512x512xi32, #tpu.memory_space<hbm>>) dst(%arg9 : memref<64x512xi32, #tpu.memory_space<vmem>>)
    %add3A_20 = arith.constant 0 : i32
    %add3A_21 = arith.addi %mul3A_2, %add3A_20 : i32
    "tpu.region"() ({
      %run_scoped3A = tpu.sem_alloc : memref<!tpu.dma_semaphore, #tpu.memory_space<semaphore_mem>>
      %dma_start3A_101 = arith.constant 0 : i32
      %dma_start3A_102 = arith.constant 0 : i32
      %dma_start3A_103 = tpu.memref_slice %arg9[%dma_start3A_101, %dma_start3A_102] : memref<64x512xi32, #tpu.memory_space<vmem>> -> memref<32x512xi32, #tpu.memory_space<vmem>>
      %dma_start3A_104 = arith.constant 0 : i32
      %dma_start3A_105 = tpu.memref_slice %arg5[%add3A_21, %dma_start3A_104] : memref<7168x512xi32, #tpu.memory_space<hbm>> -> memref<32x512xi32, #tpu.memory_space<hbm>>
      %dma_start3A_106 = arith.constant 0 : i32
      %dma_start3A_107 = tpu.memref_slice %arg5[%add3A_21, %dma_start3A_106] : memref<7168x512xi32, #tpu.memory_space<hbm>> -> memref<32x512xi32, #tpu.memory_space<hbm>>
      %dma_start3A_108 = arith.constant 0 : i32
      %dma_start3A_109 = arith.constant 0 : i32
      %dma_start3A_110 = tpu.memref_slice %arg9[%dma_start3A_108, %dma_start3A_109] : memref<64x512xi32, #tpu.memory_space<vmem>> -> memref<32x512xi32, #tpu.memory_space<vmem>>
      tpu.enqueue_dma source(%dma_start3A_110 : memref<32x512xi32, #tpu.memory_space<vmem>>) target(%dma_start3A_107 : memref<32x512xi32, #tpu.memory_space<hbm>>) target_semaphore(%run_scoped3A : memref<!tpu.dma_semaphore, #tpu.memory_space<semaphore_mem>>)
      %dma_wait3A_111 = arith.constant 0 : i32
      %dma_wait3A_112 = arith.constant 0 : i32
      %dma_wait3A_113 = tpu.memref_slice %arg9[%dma_wait3A_111, %dma_wait3A_112] : memref<64x512xi32, #tpu.memory_space<vmem>> -> memref<32x512xi32, #tpu.memory_space<vmem>>
      %dma_wait3A_114 = arith.constant 0 : i32
      %dma_wait3A_115 = tpu.memref_slice %arg5[%add3A_21, %dma_wait3A_114] : memref<7168x512xi32, #tpu.memory_space<hbm>> -> memref<32x512xi32, #tpu.memory_space<hbm>>
      %dma_wait3A_116 = arith.constant 0 : i32
      %dma_wait3A_117 = tpu.memref_slice %arg5[%add3A_21, %dma_wait3A_116] : memref<7168x512xi32, #tpu.memory_space<hbm>> -> memref<32x512xi32, #tpu.memory_space<hbm>>
      %dma_wait3A_118 = arith.constant 0 : i32
      %dma_wait3A_119 = arith.constant 0 : i32
      %dma_wait3A_120 = tpu.memref_slice %arg9[%dma_wait3A_118, %dma_wait3A_119] : memref<64x512xi32, #tpu.memory_space<vmem>> -> memref<32x512xi32, #tpu.memory_space<vmem>>
      tpu.wait_dma2 semaphore(%run_scoped3A : memref<!tpu.dma_semaphore, #tpu.memory_space<semaphore_mem>>) src(%dma_wait3A_120 : memref<32x512xi32, #tpu.memory_space<vmem>>) dst(%dma_wait3A_117 : memref<32x512xi32, #tpu.memory_space<hbm>>)
      tpu.yield
    }) : () -> ()
    %add3A_22 = arith.constant 0 : i32
    %add3A_23 = arith.addi %mul3A_2, %add3A_22 : i32
    "tpu.region"() ({
      %run_scoped3A = tpu.sem_alloc : memref<!tpu.dma_semaphore, #tpu.memory_space<semaphore_mem>>
      %dma_start3A_101 = arith.constant 32 : i32
      %dma_start3A_102 = arith.constant 0 : i32
      %dma_start3A_103 = tpu.memref_slice %arg9[%dma_start3A_101, %dma_start3A_102] : memref<64x512xi32, #tpu.memory_space<vmem>> -> memref<32x512xi32, #tpu.memory_space<vmem>>
      %dma_start3A_104 = arith.constant 0 : i32
      %dma_start3A_105 = tpu.memref_slice %arg6[%add3A_23, %dma_start3A_104] : memref<7168x512xi32, #tpu.memory_space<hbm>> -> memref<32x512xi32, #tpu.memory_space<hbm>>
      %dma_start3A_106 = arith.constant 0 : i32
      %dma_start3A_107 = tpu.memref_slice %arg6[%add3A_23, %dma_start3A_106] : memref<7168x512xi32, #tpu.memory_space<hbm>> -> memref<32x512xi32, #tpu.memory_space<hbm>>
      %dma_start3A_108 = arith.constant 32 : i32
      %dma_start3A_109 = arith.constant 0 : i32
      %dma_start3A_110 = tpu.memref_slice %arg9[%dma_start3A_108, %dma_start3A_109] : memref<64x512xi32, #tpu.memory_space<vmem>> -> memref<32x512xi32, #tpu.memory_space<vmem>>
      tpu.enqueue_dma source(%dma_start3A_110 : memref<32x512xi32, #tpu.memory_space<vmem>>) target(%dma_start3A_107 : memref<32x512xi32, #tpu.memory_space<hbm>>) target_semaphore(%run_scoped3A : memref<!tpu.dma_semaphore, #tpu.memory_space<semaphore_mem>>)
      %dma_wait3A_111 = arith.constant 32 : i32
      %dma_wait3A_112 = arith.constant 0 : i32
      %dma_wait3A_113 = tpu.memref_slice %arg9[%dma_wait3A_111, %dma_wait3A_112] : memref<64x512xi32, #tpu.memory_space<vmem>> -> memref<32x512xi32, #tpu.memory_space<vmem>>
      %dma_wait3A_114 = arith.constant 0 : i32
      %dma_wait3A_115 = tpu.memref_slice %arg6[%add3A_23, %dma_wait3A_114] : memref<7168x512xi32, #tpu.memory_space<hbm>> -> memref<32x512xi32, #tpu.memory_space<hbm>>
      %dma_wait3A_116 = arith.constant 0 : i32
      %dma_wait3A_117 = tpu.memref_slice %arg6[%add3A_23, %dma_wait3A_116] : memref<7168x512xi32, #tpu.memory_space<hbm>> -> memref<32x512xi32, #tpu.memory_space<hbm>>
      %dma_wait3A_118 = arith.constant 32 : i32
      %dma_wait3A_119 = arith.constant 0 : i32
      %dma_wait3A_120 = tpu.memref_slice %arg9[%dma_wait3A_118, %dma_wait3A_119] : memref<64x512xi32, #tpu.memory_space<vmem>> -> memref<32x512xi32, #tpu.memory_space<vmem>>
      tpu.wait_dma2 semaphore(%run_scoped3A : memref<!tpu.dma_semaphore, #tpu.memory_space<semaphore_mem>>) src(%dma_wait3A_120 : memref<32x512xi32, #tpu.memory_space<vmem>>) dst(%dma_wait3A_117 : memref<32x512xi32, #tpu.memory_space<hbm>>)
      tpu.yield
    }) : () -> ()
    %add3A_24 = arith.constant 64 : i32
    %add3A_25 = arith.addi %add3A_4, %add3A_24 : i32
    "tpu.region"() ({
      %run_scoped3A = tpu.sem_alloc : memref<!tpu.dma_semaphore, #tpu.memory_space<semaphore_mem>>
      %dma_start3A_101 = arith.constant 0 : i32
      %dma_start3A_102 = tpu.memref_slice %arg7[%dma_start3A_101] : memref<64xi32, #tpu.memory_space<vmem>> -> memref<32xi32, #tpu.memory_space<vmem>>
      %dma_start3A_103 = tpu.memref_slice %arg3[%add3A_25] : memref<16384xi32, #tpu.memory_space<hbm>> -> memref<32xi32, #tpu.memory_space<hbm>>
      %dma_start3A_104 = arith.constant 0 : i32
      %dma_start3A_105 = tpu.memref_slice %arg7[%dma_start3A_104] : memref<64xi32, #tpu.memory_space<vmem>> -> memref<32xi32, #tpu.memory_space<vmem>>
      %dma_start3A_106 = tpu.memref_slice %arg3[%add3A_25] : memref<16384xi32, #tpu.memory_space<hbm>> -> memref<32xi32, #tpu.memory_space<hbm>>
      tpu.enqueue_dma source(%dma_start3A_106 : memref<32xi32, #tpu.memory_space<hbm>>) target(%dma_start3A_105 : memref<32xi32, #tpu.memory_space<vmem>>) target_semaphore(%run_scoped3A : memref<!tpu.dma_semaphore, #tpu.memory_space<semaphore_mem>>)
      %dma_wait3A_107 = arith.constant 0 : i32
      %dma_wait3A_108 = tpu.memref_slice %arg7[%dma_wait3A_107] : memref<64xi32, #tpu.memory_space<vmem>> -> memref<32xi32, #tpu.memory_space<vmem>>
      %dma_wait3A_109 = tpu.memref_slice %arg3[%add3A_25] : memref<16384xi32, #tpu.memory_space<hbm>> -> memref<32xi32, #tpu.memory_space<hbm>>
      %dma_wait3A_110 = arith.constant 0 : i32
      %dma_wait3A_111 = tpu.memref_slice %arg7[%dma_wait3A_110] : memref<64xi32, #tpu.memory_space<vmem>> -> memref<32xi32, #tpu.memory_space<vmem>>
      %dma_wait3A_112 = tpu.memref_slice %arg3[%add3A_25] : memref<16384xi32, #tpu.memory_space<hbm>> -> memref<32xi32, #tpu.memory_space<hbm>>
      tpu.wait_dma2 semaphore(%run_scoped3A : memref<!tpu.dma_semaphore, #tpu.memory_space<semaphore_mem>>) src(%dma_wait3A_112 : memref<32xi32, #tpu.memory_space<hbm>>) dst(%dma_wait3A_111 : memref<32xi32, #tpu.memory_space<vmem>>)
      tpu.yield
    }) : () -> ()
    %add3A_26 = arith.constant 64 : i32
    %add3A_27 = arith.addi %add3A_4, %add3A_26 : i32
    "tpu.region"() ({
      %run_scoped3A = tpu.sem_alloc : memref<!tpu.dma_semaphore, #tpu.memory_space<semaphore_mem>>
      %dma_start3A_101 = arith.constant 32 : i32
      %dma_start3A_102 = tpu.memref_slice %arg7[%dma_start3A_101] : memref<64xi32, #tpu.memory_space<vmem>> -> memref<32xi32, #tpu.memory_space<vmem>>
      %dma_start3A_103 = tpu.memref_slice %arg4[%add3A_27] : memref<16384xi32, #tpu.memory_space<hbm>> -> memref<32xi32, #tpu.memory_space<hbm>>
      %dma_start3A_104 = arith.constant 32 : i32
      %dma_start3A_105 = tpu.memref_slice %arg7[%dma_start3A_104] : memref<64xi32, #tpu.memory_space<vmem>> -> memref<32xi32, #tpu.memory_space<vmem>>
      %dma_start3A_106 = tpu.memref_slice %arg4[%add3A_27] : memref<16384xi32, #tpu.memory_space<hbm>> -> memref<32xi32, #tpu.memory_space<hbm>>
      tpu.enqueue_dma source(%dma_start3A_106 : memref<32xi32, #tpu.memory_space<hbm>>) target(%dma_start3A_105 : memref<32xi32, #tpu.memory_space<vmem>>) target_semaphore(%run_scoped3A : memref<!tpu.dma_semaphore, #tpu.memory_space<semaphore_mem>>)
      %dma_wait3A_107 = arith.constant 32 : i32
      %dma_wait3A_108 = tpu.memref_slice %arg7[%dma_wait3A_107] : memref<64xi32, #tpu.memory_space<vmem>> -> memref<32xi32, #tpu.memory_space<vmem>>
      %dma_wait3A_109 = tpu.memref_slice %arg4[%add3A_27] : memref<16384xi32, #tpu.memory_space<hbm>> -> memref<32xi32, #tpu.memory_space<hbm>>
      %dma_wait3A_110 = arith.constant 32 : i32
      %dma_wait3A_111 = tpu.memref_slice %arg7[%dma_wait3A_110] : memref<64xi32, #tpu.memory_space<vmem>> -> memref<32xi32, #tpu.memory_space<vmem>>
      %dma_wait3A_112 = tpu.memref_slice %arg4[%add3A_27] : memref<16384xi32, #tpu.memory_space<hbm>> -> memref<32xi32, #tpu.memory_space<hbm>>
      tpu.wait_dma2 semaphore(%run_scoped3A : memref<!tpu.dma_semaphore, #tpu.memory_space<semaphore_mem>>) src(%dma_wait3A_112 : memref<32xi32, #tpu.memory_space<hbm>>) dst(%dma_wait3A_111 : memref<32xi32, #tpu.memory_space<vmem>>)
      tpu.yield
    }) : () -> ()
    %dma_start3A_28 = arith.constant 0 : i32
    %dma_start3A_29 = arith.constant 0 : i32
    %dma_start3A_30 = tpu.memref_slice %arg2[%dma_start3A_28, %dma_start3A_29] : memref<512x512xi32, #tpu.memory_space<hbm>> -> memref<512x512xi32, #tpu.memory_space<hbm>>
    tpu.enqueue_indirect_dma source(%dma_start3A_30 : memref<512x512xi32, #tpu.memory_space<hbm>>) target(%arg9 : memref<64x512xi32, #tpu.memory_space<vmem>>) offsets(%arg7 : memref<64xi32, #tpu.memory_space<vmem>>) semaphore(%arg11 : memref<!tpu.dma_semaphore, #tpu.memory_space<semaphore_mem>>)
    %dma_wait3A_31 = arith.constant 0 : i32
    %dma_wait3A_32 = arith.constant 0 : i32
    %dma_wait3A_33 = tpu.memref_slice %arg2[%dma_wait3A_31, %dma_wait3A_32] : memref<512x512xi32, #tpu.memory_space<hbm>> -> memref<512x512xi32, #tpu.memory_space<hbm>>
    tpu.wait_indirect_dma semaphore(%arg12 : memref<!tpu.dma_semaphore, #tpu.memory_space<semaphore_mem>>) src(%dma_wait3A_33 : memref<512x512xi32, #tpu.memory_space<hbm>>) dst(%arg10 : memref<64x512xi32, #tpu.memory_space<vmem>>)
    %add3A_34 = arith.constant 32 : i32
    %add3A_35 = arith.addi %mul3A_2, %add3A_34 : i32
    "tpu.region"() ({
      %run_scoped3A = tpu.sem_alloc : memref<!tpu.dma_semaphore, #tpu.memory_space<semaphore_mem>>
      %dma_start3A_101 = arith.constant 0 : i32
      %dma_start3A_102 = arith.constant 0 : i32
      %dma_start3A_103 = tpu.memref_slice %arg10[%dma_start3A_101, %dma_start3A_102] : memref<64x512xi32, #tpu.memory_space<vmem>> -> memref<32x512xi32, #tpu.memory_space<vmem>>
      %dma_start3A_104 = arith.constant 0 : i32
      %dma_start3A_105 = tpu.memref_slice %arg5[%add3A_35, %dma_start3A_104] : memref<7168x512xi32, #tpu.memory_space<hbm>> -> memref<32x512xi32, #tpu.memory_space<hbm>>
      %dma_start3A_106 = arith.constant 0 : i32
      %dma_start3A_107 = tpu.memref_slice %arg5[%add3A_35, %dma_start3A_106] : memref<7168x512xi32, #tpu.memory_space<hbm>> -> memref<32x512xi32, #tpu.memory_space<hbm>>
      %dma_start3A_108 = arith.constant 0 : i32
      %dma_start3A_109 = arith.constant 0 : i32
      %dma_start3A_110 = tpu.memref_slice %arg10[%dma_start3A_108, %dma_start3A_109] : memref<64x512xi32, #tpu.memory_space<vmem>> -> memref<32x512xi32, #tpu.memory_space<vmem>>
      tpu.enqueue_dma source(%dma_start3A_110 : memref<32x512xi32, #tpu.memory_space<vmem>>) target(%dma_start3A_107 : memref<32x512xi32, #tpu.memory_space<hbm>>) target_semaphore(%run_scoped3A : memref<!tpu.dma_semaphore, #tpu.memory_space<semaphore_mem>>)
      %dma_wait3A_111 = arith.constant 0 : i32
      %dma_wait3A_112 = arith.constant 0 : i32
      %dma_wait3A_113 = tpu.memref_slice %arg10[%dma_wait3A_111, %dma_wait3A_112] : memref<64x512xi32, #tpu.memory_space<vmem>> -> memref<32x512xi32, #tpu.memory_space<vmem>>
      %dma_wait3A_114 = arith.constant 0 : i32
      %dma_wait3A_115 = tpu.memref_slice %arg5[%add3A_35, %dma_wait3A_114] : memref<7168x512xi32, #tpu.memory_space<hbm>> -> memref<32x512xi32, #tpu.memory_space<hbm>>
      %dma_wait3A_116 = arith.constant 0 : i32
      %dma_wait3A_117 = tpu.memref_slice %arg5[%add3A_35, %dma_wait3A_116] : memref<7168x512xi32, #tpu.memory_space<hbm>> -> memref<32x512xi32, #tpu.memory_space<hbm>>
      %dma_wait3A_118 = arith.constant 0 : i32
      %dma_wait3A_119 = arith.constant 0 : i32
      %dma_wait3A_120 = tpu.memref_slice %arg10[%dma_wait3A_118, %dma_wait3A_119] : memref<64x512xi32, #tpu.memory_space<vmem>> -> memref<32x512xi32, #tpu.memory_space<vmem>>
      tpu.wait_dma2 semaphore(%run_scoped3A : memref<!tpu.dma_semaphore, #tpu.memory_space<semaphore_mem>>) src(%dma_wait3A_120 : memref<32x512xi32, #tpu.memory_space<vmem>>) dst(%dma_wait3A_117 : memref<32x512xi32, #tpu.memory_space<hbm>>)
      tpu.yield
    }) : () -> ()
    %add3A_36 = arith.constant 32 : i32
    %add3A_37 = arith.addi %mul3A_2, %add3A_36 : i32
    "tpu.region"() ({
      %run_scoped3A = tpu.sem_alloc : memref<!tpu.dma_semaphore, #tpu.memory_space<semaphore_mem>>
      %dma_start3A_101 = arith.constant 32 : i32
      %dma_start3A_102 = arith.constant 0 : i32
      %dma_start3A_103 = tpu.memref_slice %arg10[%dma_start3A_101, %dma_start3A_102] : memref<64x512xi32, #tpu.memory_space<vmem>> -> memref<32x512xi32, #tpu.memory_space<vmem>>
      %dma_start3A_104 = arith.constant 0 : i32
      %dma_start3A_105 = tpu.memref_slice %arg6[%add3A_37, %dma_start3A_104] : memref<7168x512xi32, #tpu.memory_space<hbm>> -> memref<32x512xi32, #tpu.memory_space<hbm>>
      %dma_start3A_106 = arith.constant 0 : i32
      %dma_start3A_107 = tpu.memref_slice %arg6[%add3A_37, %dma_start3A_106] : memref<7168x512xi32, #tpu.memory_space<hbm>> -> memref<32x512xi32, #tpu.memory_space<hbm>>
      %dma_start3A_108 = arith.constant 32 : i32
      %dma_start3A_109 = arith.constant 0 : i32
      %dma_start3A_110 = tpu.memref_slice %arg10[%dma_start3A_108, %dma_start3A_109] : memref<64x512xi32, #tpu.memory_space<vmem>> -> memref<32x512xi32, #tpu.memory_space<vmem>>
      tpu.enqueue_dma source(%dma_start3A_110 : memref<32x512xi32, #tpu.memory_space<vmem>>) target(%dma_start3A_107 : memref<32x512xi32, #tpu.memory_space<hbm>>) target_semaphore(%run_scoped3A : memref<!tpu.dma_semaphore, #tpu.memory_space<semaphore_mem>>)
      %dma_wait3A_111 = arith.constant 32 : i32
      %dma_wait3A_112 = arith.constant 0 : i32
      %dma_wait3A_113 = tpu.memref_slice %arg10[%dma_wait3A_111, %dma_wait3A_112] : memref<64x512xi32, #tpu.memory_space<vmem>> -> memref<32x512xi32, #tpu.memory_space<vmem>>
      %dma_wait3A_114 = arith.constant 0 : i32
      %dma_wait3A_115 = tpu.memref_slice %arg6[%add3A_37, %dma_wait3A_114] : memref<7168x512xi32, #tpu.memory_space<hbm>> -> memref<32x512xi32, #tpu.memory_space<hbm>>
      %dma_wait3A_116 = arith.constant 0 : i32
      %dma_wait3A_117 = tpu.memref_slice %arg6[%add3A_37, %dma_wait3A_116] : memref<7168x512xi32, #tpu.memory_space<hbm>> -> memref<32x512xi32, #tpu.memory_space<hbm>>
      %dma_wait3A_118 = arith.constant 32 : i32
      %dma_wait3A_119 = arith.constant 0 : i32
      %dma_wait3A_120 = tpu.memref_slice %arg10[%dma_wait3A_118, %dma_wait3A_119] : memref<64x512xi32, #tpu.memory_space<vmem>> -> memref<32x512xi32, #tpu.memory_space<vmem>>
      tpu.wait_dma2 semaphore(%run_scoped3A : memref<!tpu.dma_semaphore, #tpu.memory_space<semaphore_mem>>) src(%dma_wait3A_120 : memref<32x512xi32, #tpu.memory_space<vmem>>) dst(%dma_wait3A_117 : memref<32x512xi32, #tpu.memory_space<hbm>>)
      tpu.yield
    }) : () -> ()
    %add3A_38 = arith.constant 96 : i32
    %add3A_39 = arith.addi %add3A_4, %add3A_38 : i32
    "tpu.region"() ({
      %run_scoped3A = tpu.sem_alloc : memref<!tpu.dma_semaphore, #tpu.memory_space<semaphore_mem>>
      %dma_start3A_101 = arith.constant 0 : i32
      %dma_start3A_102 = tpu.memref_slice %arg8[%dma_start3A_101] : memref<64xi32, #tpu.memory_space<vmem>> -> memref<32xi32, #tpu.memory_space<vmem>>
      %dma_start3A_103 = tpu.memref_slice %arg3[%add3A_39] : memref<16384xi32, #tpu.memory_space<hbm>> -> memref<32xi32, #tpu.memory_space<hbm>>
      %dma_start3A_104 = arith.constant 0 : i32
      %dma_start3A_105 = tpu.memref_slice %arg8[%dma_start3A_104] : memref<64xi32, #tpu.memory_space<vmem>> -> memref<32xi32, #tpu.memory_space<vmem>>
      %dma_start3A_106 = tpu.memref_slice %arg3[%add3A_39] : memref<16384xi32, #tpu.memory_space<hbm>> -> memref<32xi32, #tpu.memory_space<hbm>>
      tpu.enqueue_dma source(%dma_start3A_106 : memref<32xi32, #tpu.memory_space<hbm>>) target(%dma_start3A_105 : memref<32xi32, #tpu.memory_space<vmem>>) target_semaphore(%run_scoped3A : memref<!tpu.dma_semaphore, #tpu.memory_space<semaphore_mem>>)
      %dma_wait3A_107 = arith.constant 0 : i32
      %dma_wait3A_108 = tpu.memref_slice %arg8[%dma_wait3A_107] : memref<64xi32, #tpu.memory_space<vmem>> -> memref<32xi32, #tpu.memory_space<vmem>>
      %dma_wait3A_109 = tpu.memref_slice %arg3[%add3A_39] : memref<16384xi32, #tpu.memory_space<hbm>> -> memref<32xi32, #tpu.memory_space<hbm>>
      %dma_wait3A_110 = arith.constant 0 : i32
      %dma_wait3A_111 = tpu.memref_slice %arg8[%dma_wait3A_110] : memref<64xi32, #tpu.memory_space<vmem>> -> memref<32xi32, #tpu.memory_space<vmem>>
      %dma_wait3A_112 = tpu.memref_slice %arg3[%add3A_39] : memref<16384xi32, #tpu.memory_space<hbm>> -> memref<32xi32, #tpu.memory_space<hbm>>
      tpu.wait_dma2 semaphore(%run_scoped3A : memref<!tpu.dma_semaphore, #tpu.memory_space<semaphore_mem>>) src(%dma_wait3A_112 : memref<32xi32, #tpu.memory_space<hbm>>) dst(%dma_wait3A_111 : memref<32xi32, #tpu.memory_space<vmem>>)
      tpu.yield
    }) : () -> ()
    %add3A_40 = arith.constant 96 : i32
    %add3A_41 = arith.addi %add3A_4, %add3A_40 : i32
    "tpu.region"() ({
      %run_scoped3A = tpu.sem_alloc : memref<!tpu.dma_semaphore, #tpu.memory_space<semaphore_mem>>
      %dma_start3A_101 = arith.constant 32 : i32
      %dma_start3A_102 = tpu.memref_slice %arg8[%dma_start3A_101] : memref<64xi32, #tpu.memory_space<vmem>> -> memref<32xi32, #tpu.memory_space<vmem>>
      %dma_start3A_103 = tpu.memref_slice %arg4[%add3A_41] : memref<16384xi32, #tpu.memory_space<hbm>> -> memref<32xi32, #tpu.memory_space<hbm>>
      %dma_start3A_104 = arith.constant 32 : i32
      %dma_start3A_105 = tpu.memref_slice %arg8[%dma_start3A_104] : memref<64xi32, #tpu.memory_space<vmem>> -> memref<32xi32, #tpu.memory_space<vmem>>
      %dma_start3A_106 = tpu.memref_slice %arg4[%add3A_41] : memref<16384xi32, #tpu.memory_space<hbm>> -> memref<32xi32, #tpu.memory_space<hbm>>
      tpu.enqueue_dma source(%dma_start3A_106 : memref<32xi32, #tpu.memory_space<hbm>>) target(%dma_start3A_105 : memref<32xi32, #tpu.memory_space<vmem>>) target_semaphore(%run_scoped3A : memref<!tpu.dma_semaphore, #tpu.memory_space<semaphore_mem>>)
      %dma_wait3A_107 = arith.constant 32 : i32
      %dma_wait3A_108 = tpu.memref_slice %arg8[%dma_wait3A_107] : memref<64xi32, #tpu.memory_space<vmem>> -> memref<32xi32, #tpu.memory_space<vmem>>
      %dma_wait3A_109 = tpu.memref_slice %arg4[%add3A_41] : memref<16384xi32, #tpu.memory_space<hbm>> -> memref<32xi32, #tpu.memory_space<hbm>>
      %dma_wait3A_110 = arith.constant 32 : i32
      %dma_wait3A_111 = tpu.memref_slice %arg8[%dma_wait3A_110] : memref<64xi32, #tpu.memory_space<vmem>> -> memref<32xi32, #tpu.memory_space<vmem>>
      %dma_wait3A_112 = tpu.memref_slice %arg4[%add3A_41] : memref<16384xi32, #tpu.memory_space<hbm>> -> memref<32xi32, #tpu.memory_space<hbm>>
      tpu.wait_dma2 semaphore(%run_scoped3A : memref<!tpu.dma_semaphore, #tpu.memory_space<semaphore_mem>>) src(%dma_wait3A_112 : memref<32xi32, #tpu.memory_space<hbm>>) dst(%dma_wait3A_111 : memref<32xi32, #tpu.memory_space<vmem>>)
      tpu.yield
    }) : () -> ()
    %dma_start3A_42 = arith.constant 0 : i32
    %dma_start3A_43 = arith.constant 0 : i32
    %dma_start3A_44 = tpu.memref_slice %arg2[%dma_start3A_42, %dma_start3A_43] : memref<512x512xi32, #tpu.memory_space<hbm>> -> memref<512x512xi32, #tpu.memory_space<hbm>>
    tpu.enqueue_indirect_dma source(%dma_start3A_44 : memref<512x512xi32, #tpu.memory_space<hbm>>) target(%arg10 : memref<64x512xi32, #tpu.memory_space<vmem>>) offsets(%arg8 : memref<64xi32, #tpu.memory_space<vmem>>) semaphore(%arg12 : memref<!tpu.dma_semaphore, #tpu.memory_space<semaphore_mem>>)
    %dma_wait3A_45 = arith.constant 0 : i32
    %dma_wait3A_46 = arith.constant 0 : i32
    %dma_wait3A_47 = tpu.memref_slice %arg2[%dma_wait3A_45, %dma_wait3A_46] : memref<512x512xi32, #tpu.memory_space<hbm>> -> memref<512x512xi32, #tpu.memory_space<hbm>>
    tpu.wait_indirect_dma semaphore(%arg11 : memref<!tpu.dma_semaphore, #tpu.memory_space<semaphore_mem>>) src(%dma_wait3A_47 : memref<512x512xi32, #tpu.memory_space<hbm>>) dst(%arg9 : memref<64x512xi32, #tpu.memory_space<vmem>>)
    %add3A_48 = arith.constant 64 : i32
    %add3A_49 = arith.addi %mul3A_2, %add3A_48 : i32
    "tpu.region"() ({
      %run_scoped3A = tpu.sem_alloc : memref<!tpu.dma_semaphore, #tpu.memory_space<semaphore_mem>>
      %dma_start3A_101 = arith.constant 0 : i32
      %dma_start3A_102 = arith.constant 0 : i32
      %dma_start3A_103 = tpu.memref_slice %arg9[%dma_start3A_101, %dma_start3A_102] : memref<64x512xi32, #tpu.memory_space<vmem>> -> memref<32x512xi32, #tpu.memory_space<vmem>>
      %dma_start3A_104 = arith.constant 0 : i32
      %dma_start3A_105 = tpu.memref_slice %arg5[%add3A_49, %dma_start3A_104] : memref<7168x512xi32, #tpu.memory_space<hbm>> -> memref<32x512xi32, #tpu.memory_space<hbm>>
      %dma_start3A_106 = arith.constant 0 : i32
      %dma_start3A_107 = tpu.memref_slice %arg5[%add3A_49, %dma_start3A_106] : memref<7168x512xi32, #tpu.memory_space<hbm>> -> memref<32x512xi32, #tpu.memory_space<hbm>>
      %dma_start3A_108 = arith.constant 0 : i32
      %dma_start3A_109 = arith.constant 0 : i32
      %dma_start3A_110 = tpu.memref_slice %arg9[%dma_start3A_108, %dma_start3A_109] : memref<64x512xi32, #tpu.memory_space<vmem>> -> memref<32x512xi32, #tpu.memory_space<vmem>>
      tpu.enqueue_dma source(%dma_start3A_110 : memref<32x512xi32, #tpu.memory_space<vmem>>) target(%dma_start3A_107 : memref<32x512xi32, #tpu.memory_space<hbm>>) target_semaphore(%run_scoped3A : memref<!tpu.dma_semaphore, #tpu.memory_space<semaphore_mem>>)
      %dma_wait3A_111 = arith.constant 0 : i32
      %dma_wait3A_112 = arith.constant 0 : i32
      %dma_wait3A_113 = tpu.memref_slice %arg9[%dma_wait3A_111, %dma_wait3A_112] : memref<64x512xi32, #tpu.memory_space<vmem>> -> memref<32x512xi32, #tpu.memory_space<vmem>>
      %dma_wait3A_114 = arith.constant 0 : i32
      %dma_wait3A_115 = tpu.memref_slice %arg5[%add3A_49, %dma_wait3A_114] : memref<7168x512xi32, #tpu.memory_space<hbm>> -> memref<32x512xi32, #tpu.memory_space<hbm>>
      %dma_wait3A_116 = arith.constant 0 : i32
      %dma_wait3A_117 = tpu.memref_slice %arg5[%add3A_49, %dma_wait3A_116] : memref<7168x512xi32, #tpu.memory_space<hbm>> -> memref<32x512xi32, #tpu.memory_space<hbm>>
      %dma_wait3A_118 = arith.constant 0 : i32
      %dma_wait3A_119 = arith.constant 0 : i32
      %dma_wait3A_120 = tpu.memref_slice %arg9[%dma_wait3A_118, %dma_wait3A_119] : memref<64x512xi32, #tpu.memory_space<vmem>> -> memref<32x512xi32, #tpu.memory_space<vmem>>
      tpu.wait_dma2 semaphore(%run_scoped3A : memref<!tpu.dma_semaphore, #tpu.memory_space<semaphore_mem>>) src(%dma_wait3A_120 : memref<32x512xi32, #tpu.memory_space<vmem>>) dst(%dma_wait3A_117 : memref<32x512xi32, #tpu.memory_space<hbm>>)
      tpu.yield
    }) : () -> ()
    %add3A_50 = arith.constant 64 : i32
    %add3A_51 = arith.addi %mul3A_2, %add3A_50 : i32
    "tpu.region"() ({
      %run_scoped3A = tpu.sem_alloc : memref<!tpu.dma_semaphore, #tpu.memory_space<semaphore_mem>>
      %dma_start3A_101 = arith.constant 32 : i32
      %dma_start3A_102 = arith.constant 0 : i32
      %dma_start3A_103 = tpu.memref_slice %arg9[%dma_start3A_101, %dma_start3A_102] : memref<64x512xi32, #tpu.memory_space<vmem>> -> memref<32x512xi32, #tpu.memory_space<vmem>>
      %dma_start3A_104 = arith.constant 0 : i32
      %dma_start3A_105 = tpu.memref_slice %arg6[%add3A_51, %dma_start3A_104] : memref<7168x512xi32, #tpu.memory_space<hbm>> -> memref<32x512xi32, #tpu.memory_space<hbm>>
      %dma_start3A_106 = arith.constant 0 : i32
      %dma_start3A_107 = tpu.memref_slice %arg6[%add3A_51, %dma_start3A_106] : memref<7168x512xi32, #tpu.memory_space<hbm>> -> memref<32x512xi32, #tpu.memory_space<hbm>>
      %dma_start3A_108 = arith.constant 32 : i32
      %dma_start3A_109 = arith.constant 0 : i32
      %dma_start3A_110 = tpu.memref_slice %arg9[%dma_start3A_108, %dma_start3A_109] : memref<64x512xi32, #tpu.memory_space<vmem>> -> memref<32x512xi32, #tpu.memory_space<vmem>>
      tpu.enqueue_dma source(%dma_start3A_110 : memref<32x512xi32, #tpu.memory_space<vmem>>) target(%dma_start3A_107 : memref<32x512xi32, #tpu.memory_space<hbm>>) target_semaphore(%run_scoped3A : memref<!tpu.dma_semaphore, #tpu.memory_space<semaphore_mem>>)
      %dma_wait3A_111 = arith.constant 32 : i32
      %dma_wait3A_112 = arith.constant 0 : i32
      %dma_wait3A_113 = tpu.memref_slice %arg9[%dma_wait3A_111, %dma_wait3A_112] : memref<64x512xi32, #tpu.memory_space<vmem>> -> memref<32x512xi32, #tpu.memory_space<vmem>>
      %dma_wait3A_114 = arith.constant 0 : i32
      %dma_wait3A_115 = tpu.memref_slice %arg6[%add3A_51, %dma_wait3A_114] : memref<7168x512xi32, #tpu.memory_space<hbm>> -> memref<32x512xi32, #tpu.memory_space<hbm>>
      %dma_wait3A_116 = arith.constant 0 : i32
      %dma_wait3A_117 = tpu.memref_slice %arg6[%add3A_51, %dma_wait3A_116] : memref<7168x512xi32, #tpu.memory_space<hbm>> -> memref<32x512xi32, #tpu.memory_space<hbm>>
      %dma_wait3A_118 = arith.constant 32 : i32
      %dma_wait3A_119 = arith.constant 0 : i32
      %dma_wait3A_120 = tpu.memref_slice %arg9[%dma_wait3A_118, %dma_wait3A_119] : memref<64x512xi32, #tpu.memory_space<vmem>> -> memref<32x512xi32, #tpu.memory_space<vmem>>
      tpu.wait_dma2 semaphore(%run_scoped3A : memref<!tpu.dma_semaphore, #tpu.memory_space<semaphore_mem>>) src(%dma_wait3A_120 : memref<32x512xi32, #tpu.memory_space<vmem>>) dst(%dma_wait3A_117 : memref<32x512xi32, #tpu.memory_space<hbm>>)
      tpu.yield
    }) : () -> ()
    %add3A_52 = arith.constant 128 : i32
    %add3A_53 = arith.addi %add3A_4, %add3A_52 : i32
    "tpu.region"() ({
      %run_scoped3A = tpu.sem_alloc : memref<!tpu.dma_semaphore, #tpu.memory_space<semaphore_mem>>
      %dma_start3A_101 = arith.constant 0 : i32
      %dma_start3A_102 = tpu.memref_slice %arg7[%dma_start3A_101] : memref<64xi32, #tpu.memory_space<vmem>> -> memref<32xi32, #tpu.memory_space<vmem>>
      %dma_start3A_103 = tpu.memref_slice %arg3[%add3A_53] : memref<16384xi32, #tpu.memory_space<hbm>> -> memref<32xi32, #tpu.memory_space<hbm>>
      %dma_start3A_104 = arith.constant 0 : i32
      %dma_start3A_105 = tpu.memref_slice %arg7[%dma_start3A_104] : memref<64xi32, #tpu.memory_space<vmem>> -> memref<32xi32, #tpu.memory_space<vmem>>
      %dma_start3A_106 = tpu.memref_slice %arg3[%add3A_53] : memref<16384xi32, #tpu.memory_space<hbm>> -> memref<32xi32, #tpu.memory_space<hbm>>
      tpu.enqueue_dma source(%dma_start3A_106 : memref<32xi32, #tpu.memory_space<hbm>>) target(%dma_start3A_105 : memref<32xi32, #tpu.memory_space<vmem>>) target_semaphore(%run_scoped3A : memref<!tpu.dma_semaphore, #tpu.memory_space<semaphore_mem>>)
      %dma_wait3A_107 = arith.constant 0 : i32
      %dma_wait3A_108 = tpu.memref_slice %arg7[%dma_wait3A_107] : memref<64xi32, #tpu.memory_space<vmem>> -> memref<32xi32, #tpu.memory_space<vmem>>
      %dma_wait3A_109 = tpu.memref_slice %arg3[%add3A_53] : memref<16384xi32, #tpu.memory_space<hbm>> -> memref<32xi32, #tpu.memory_space<hbm>>
      %dma_wait3A_110 = arith.constant 0 : i32
      %dma_wait3A_111 = tpu.memref_slice %arg7[%dma_wait3A_110] : memref<64xi32, #tpu.memory_space<vmem>> -> memref<32xi32, #tpu.memory_space<vmem>>
      %dma_wait3A_112 = tpu.memref_slice %arg3[%add3A_53] : memref<16384xi32, #tpu.memory_space<hbm>> -> memref<32xi32, #tpu.memory_space<hbm>>
      tpu.wait_dma2 semaphore(%run_scoped3A : memref<!tpu.dma_semaphore, #tpu.memory_space<semaphore_mem>>) src(%dma_wait3A_112 : memref<32xi32, #tpu.memory_space<hbm>>) dst(%dma_wait3A_111 : memref<32xi32, #tpu.memory_space<vmem>>)
      tpu.yield
    }) : () -> ()
    %add3A_54 = arith.constant 128 : i32
    %add3A_55 = arith.addi %add3A_4, %add3A_54 : i32
    "tpu.region"() ({
      %run_scoped3A = tpu.sem_alloc : memref<!tpu.dma_semaphore, #tpu.memory_space<semaphore_mem>>
      %dma_start3A_101 = arith.constant 32 : i32
      %dma_start3A_102 = tpu.memref_slice %arg7[%dma_start3A_101] : memref<64xi32, #tpu.memory_space<vmem>> -> memref<32xi32, #tpu.memory_space<vmem>>
      %dma_start3A_103 = tpu.memref_slice %arg4[%add3A_55] : memref<16384xi32, #tpu.memory_space<hbm>> -> memref<32xi32, #tpu.memory_space<hbm>>
      %dma_start3A_104 = arith.constant 32 : i32
      %dma_start3A_105 = tpu.memref_slice %arg7[%dma_start3A_104] : memref<64xi32, #tpu.memory_space<vmem>> -> memref<32xi32, #tpu.memory_space<vmem>>
      %dma_start3A_106 = tpu.memref_slice %arg4[%add3A_55] : memref<16384xi32, #tpu.memory_space<hbm>> -> memref<32xi32, #tpu.memory_space<hbm>>
      tpu.enqueue_dma source(%dma_start3A_106 : memref<32xi32, #tpu.memory_space<hbm>>) target(%dma_start3A_105 : memref<32xi32, #tpu.memory_space<vmem>>) target_semaphore(%run_scoped3A : memref<!tpu.dma_semaphore, #tpu.memory_space<semaphore_mem>>)
      %dma_wait3A_107 = arith.constant 32 : i32
      %dma_wait3A_108 = tpu.memref_slice %arg7[%dma_wait3A_107] : memref<64xi32, #tpu.memory_space<vmem>> -> memref<32xi32, #tpu.memory_space<vmem>>
      %dma_wait3A_109 = tpu.memref_slice %arg4[%add3A_55] : memref<16384xi32, #tpu.memory_space<hbm>> -> memref<32xi32, #tpu.memory_space<hbm>>
      %dma_wait3A_110 = arith.constant 32 : i32
      %dma_wait3A_111 = tpu.memref_slice %arg7[%dma_wait3A_110] : memref<64xi32, #tpu.memory_space<vmem>> -> memref<32xi32, #tpu.memory_space<vmem>>
      %dma_wait3A_112 = tpu.memref_slice %arg4[%add3A_55] : memref<16384xi32, #tpu.memory_space<hbm>> -> memref<32xi32, #tpu.memory_space<hbm>>
      tpu.wait_dma2 semaphore(%run_scoped3A : memref<!tpu.dma_semaphore, #tpu.memory_space<semaphore_mem>>) src(%dma_wait3A_112 : memref<32xi32, #tpu.memory_space<hbm>>) dst(%dma_wait3A_111 : memref<32xi32, #tpu.memory_space<vmem>>)
      tpu.yield
    }) : () -> ()
    %dma_start3A_56 = arith.constant 0 : i32
    %dma_start3A_57 = arith.constant 0 : i32
    %dma_start3A_58 = tpu.memref_slice %arg2[%dma_start3A_56, %dma_start3A_57] : memref<512x512xi32, #tpu.memory_space<hbm>> -> memref<512x512xi32, #tpu.memory_space<hbm>>
    tpu.enqueue_indirect_dma source(%dma_start3A_58 : memref<512x512xi32, #tpu.memory_space<hbm>>) target(%arg9 : memref<64x512xi32, #tpu.memory_space<vmem>>) offsets(%arg7 : memref<64xi32, #tpu.memory_space<vmem>>) semaphore(%arg11 : memref<!tpu.dma_semaphore, #tpu.memory_space<semaphore_mem>>)
    %dma_wait3A_59 = arith.constant 0 : i32
    %dma_wait3A_60 = arith.constant 0 : i32
    %dma_wait3A_61 = tpu.memref_slice %arg2[%dma_wait3A_59, %dma_wait3A_60] : memref<512x512xi32, #tpu.memory_space<hbm>> -> memref<512x512xi32, #tpu.memory_space<hbm>>
    tpu.wait_indirect_dma semaphore(%arg12 : memref<!tpu.dma_semaphore, #tpu.memory_space<semaphore_mem>>) src(%dma_wait3A_61 : memref<512x512xi32, #tpu.memory_space<hbm>>) dst(%arg10 : memref<64x512xi32, #tpu.memory_space<vmem>>)
    %add3A_62 = arith.constant 96 : i32
    %add3A_63 = arith.addi %mul3A_2, %add3A_62 : i32
    "tpu.region"() ({
      %run_scoped3A = tpu.sem_alloc : memref<!tpu.dma_semaphore, #tpu.memory_space<semaphore_mem>>
      %dma_start3A_101 = arith.constant 0 : i32
      %dma_start3A_102 = arith.constant 0 : i32
      %dma_start3A_103 = tpu.memref_slice %arg10[%dma_start3A_101, %dma_start3A_102] : memref<64x512xi32, #tpu.memory_space<vmem>> -> memref<32x512xi32, #tpu.memory_space<vmem>>
      %dma_start3A_104 = arith.constant 0 : i32
      %dma_start3A_105 = tpu.memref_slice %arg5[%add3A_63, %dma_start3A_104] : memref<7168x512xi32, #tpu.memory_space<hbm>> -> memref<32x512xi32, #tpu.memory_space<hbm>>
      %dma_start3A_106 = arith.constant 0 : i32
      %dma_start3A_107 = tpu.memref_slice %arg5[%add3A_63, %dma_start3A_106] : memref<7168x512xi32, #tpu.memory_space<hbm>> -> memref<32x512xi32, #tpu.memory_space<hbm>>
      %dma_start3A_108 = arith.constant 0 : i32
      %dma_start3A_109 = arith.constant 0 : i32
      %dma_start3A_110 = tpu.memref_slice %arg10[%dma_start3A_108, %dma_start3A_109] : memref<64x512xi32, #tpu.memory_space<vmem>> -> memref<32x512xi32, #tpu.memory_space<vmem>>
      tpu.enqueue_dma source(%dma_start3A_110 : memref<32x512xi32, #tpu.memory_space<vmem>>) target(%dma_start3A_107 : memref<32x512xi32, #tpu.memory_space<hbm>>) target_semaphore(%run_scoped3A : memref<!tpu.dma_semaphore, #tpu.memory_space<semaphore_mem>>)
      %dma_wait3A_111 = arith.constant 0 : i32
      %dma_wait3A_112 = arith.constant 0 : i32
      %dma_wait3A_113 = tpu.memref_slice %arg10[%dma_wait3A_111, %dma_wait3A_112] : memref<64x512xi32, #tpu.memory_space<vmem>> -> memref<32x512xi32, #tpu.memory_space<vmem>>
      %dma_wait3A_114 = arith.constant 0 : i32
      %dma_wait3A_115 = tpu.memref_slice %arg5[%add3A_63, %dma_wait3A_114] : memref<7168x512xi32, #tpu.memory_space<hbm>> -> memref<32x512xi32, #tpu.memory_space<hbm>>
      %dma_wait3A_116 = arith.constant 0 : i32
      %dma_wait3A_117 = tpu.memref_slice %arg5[%add3A_63, %dma_wait3A_116] : memref<7168x512xi32, #tpu.memory_space<hbm>> -> memref<32x512xi32, #tpu.memory_space<hbm>>
      %dma_wait3A_118 = arith.constant 0 : i32
      %dma_wait3A_119 = arith.constant 0 : i32
      %dma_wait3A_120 = tpu.memref_slice %arg10[%dma_wait3A_118, %dma_wait3A_119] : memref<64x512xi32, #tpu.memory_space<vmem>> -> memref<32x512xi32, #tpu.memory_space<vmem>>
      tpu.wait_dma2 semaphore(%run_scoped3A : memref<!tpu.dma_semaphore, #tpu.memory_space<semaphore_mem>>) src(%dma_wait3A_120 : memref<32x512xi32, #tpu.memory_space<vmem>>) dst(%dma_wait3A_117 : memref<32x512xi32, #tpu.memory_space<hbm>>)
      tpu.yield
    }) : () -> ()
    %add3A_64 = arith.constant 96 : i32
    %add3A_65 = arith.addi %mul3A_2, %add3A_64 : i32
    "tpu.region"() ({
      %run_scoped3A = tpu.sem_alloc : memref<!tpu.dma_semaphore, #tpu.memory_space<semaphore_mem>>
      %dma_start3A_101 = arith.constant 32 : i32
      %dma_start3A_102 = arith.constant 0 : i32
      %dma_start3A_103 = tpu.memref_slice %arg10[%dma_start3A_101, %dma_start3A_102] : memref<64x512xi32, #tpu.memory_space<vmem>> -> memref<32x512xi32, #tpu.memory_space<vmem>>
      %dma_start3A_104 = arith.constant 0 : i32
      %dma_start3A_105 = tpu.memref_slice %arg6[%add3A_65, %dma_start3A_104] : memref<7168x512xi32, #tpu.memory_space<hbm>> -> memref<32x512xi32, #tpu.memory_space<hbm>>
      %dma_start3A_106 = arith.constant 0 : i32
      %dma_start3A_107 = tpu.memref_slice %arg6[%add3A_65, %dma_start3A_106] : memref<7168x512xi32, #tpu.memory_space<hbm>> -> memref<32x512xi32, #tpu.memory_space<hbm>>
      %dma_start3A_108 = arith.constant 32 : i32
      %dma_start3A_109 = arith.constant 0 : i32
      %dma_start3A_110 = tpu.memref_slice %arg10[%dma_start3A_108, %dma_start3A_109] : memref<64x512xi32, #tpu.memory_space<vmem>> -> memref<32x512xi32, #tpu.memory_space<vmem>>
      tpu.enqueue_dma source(%dma_start3A_110 : memref<32x512xi32, #tpu.memory_space<vmem>>) target(%dma_start3A_107 : memref<32x512xi32, #tpu.memory_space<hbm>>) target_semaphore(%run_scoped3A : memref<!tpu.dma_semaphore, #tpu.memory_space<semaphore_mem>>)
      %dma_wait3A_111 = arith.constant 32 : i32
      %dma_wait3A_112 = arith.constant 0 : i32
      %dma_wait3A_113 = tpu.memref_slice %arg10[%dma_wait3A_111, %dma_wait3A_112] : memref<64x512xi32, #tpu.memory_space<vmem>> -> memref<32x512xi32, #tpu.memory_space<vmem>>
      %dma_wait3A_114 = arith.constant 0 : i32
      %dma_wait3A_115 = tpu.memref_slice %arg6[%add3A_65, %dma_wait3A_114] : memref<7168x512xi32, #tpu.memory_space<hbm>> -> memref<32x512xi32, #tpu.memory_space<hbm>>
      %dma_wait3A_116 = arith.constant 0 : i32
      %dma_wait3A_117 = tpu.memref_slice %arg6[%add3A_65, %dma_wait3A_116] : memref<7168x512xi32, #tpu.memory_space<hbm>> -> memref<32x512xi32, #tpu.memory_space<hbm>>
      %dma_wait3A_118 = arith.constant 32 : i32
      %dma_wait3A_119 = arith.constant 0 : i32
      %dma_wait3A_120 = tpu.memref_slice %arg10[%dma_wait3A_118, %dma_wait3A_119] : memref<64x512xi32, #tpu.memory_space<vmem>> -> memref<32x512xi32, #tpu.memory_space<vmem>>
      tpu.wait_dma2 semaphore(%run_scoped3A : memref<!tpu.dma_semaphore, #tpu.memory_space<semaphore_mem>>) src(%dma_wait3A_120 : memref<32x512xi32, #tpu.memory_space<vmem>>) dst(%dma_wait3A_117 : memref<32x512xi32, #tpu.memory_space<hbm>>)
      tpu.yield
    }) : () -> ()
    %add3A_66 = arith.constant 160 : i32
    %add3A_67 = arith.addi %add3A_4, %add3A_66 : i32
    "tpu.region"() ({
      %run_scoped3A = tpu.sem_alloc : memref<!tpu.dma_semaphore, #tpu.memory_space<semaphore_mem>>
      %dma_start3A_101 = arith.constant 0 : i32
      %dma_start3A_102 = tpu.memref_slice %arg8[%dma_start3A_101] : memref<64xi32, #tpu.memory_space<vmem>> -> memref<32xi32, #tpu.memory_space<vmem>>
      %dma_start3A_103 = tpu.memref_slice %arg3[%add3A_67] : memref<16384xi32, #tpu.memory_space<hbm>> -> memref<32xi32, #tpu.memory_space<hbm>>
      %dma_start3A_104 = arith.constant 0 : i32
      %dma_start3A_105 = tpu.memref_slice %arg8[%dma_start3A_104] : memref<64xi32, #tpu.memory_space<vmem>> -> memref<32xi32, #tpu.memory_space<vmem>>
      %dma_start3A_106 = tpu.memref_slice %arg3[%add3A_67] : memref<16384xi32, #tpu.memory_space<hbm>> -> memref<32xi32, #tpu.memory_space<hbm>>
      tpu.enqueue_dma source(%dma_start3A_106 : memref<32xi32, #tpu.memory_space<hbm>>) target(%dma_start3A_105 : memref<32xi32, #tpu.memory_space<vmem>>) target_semaphore(%run_scoped3A : memref<!tpu.dma_semaphore, #tpu.memory_space<semaphore_mem>>)
      %dma_wait3A_107 = arith.constant 0 : i32
      %dma_wait3A_108 = tpu.memref_slice %arg8[%dma_wait3A_107] : memref<64xi32, #tpu.memory_space<vmem>> -> memref<32xi32, #tpu.memory_space<vmem>>
      %dma_wait3A_109 = tpu.memref_slice %arg3[%add3A_67] : memref<16384xi32, #tpu.memory_space<hbm>> -> memref<32xi32, #tpu.memory_space<hbm>>
      %dma_wait3A_110 = arith.constant 0 : i32
      %dma_wait3A_111 = tpu.memref_slice %arg8[%dma_wait3A_110] : memref<64xi32, #tpu.memory_space<vmem>> -> memref<32xi32, #tpu.memory_space<vmem>>
      %dma_wait3A_112 = tpu.memref_slice %arg3[%add3A_67] : memref<16384xi32, #tpu.memory_space<hbm>> -> memref<32xi32, #tpu.memory_space<hbm>>
      tpu.wait_dma2 semaphore(%run_scoped3A : memref<!tpu.dma_semaphore, #tpu.memory_space<semaphore_mem>>) src(%dma_wait3A_112 : memref<32xi32, #tpu.memory_space<hbm>>) dst(%dma_wait3A_111 : memref<32xi32, #tpu.memory_space<vmem>>)
      tpu.yield
    }) : () -> ()
    %add3A_68 = arith.constant 160 : i32
    %add3A_69 = arith.addi %add3A_4, %add3A_68 : i32
    "tpu.region"() ({
      %run_scoped3A = tpu.sem_alloc : memref<!tpu.dma_semaphore, #tpu.memory_space<semaphore_mem>>
      %dma_start3A_101 = arith.constant 32 : i32
      %dma_start3A_102 = tpu.memref_slice %arg8[%dma_start3A_101] : memref<64xi32, #tpu.memory_space<vmem>> -> memref<32xi32, #tpu.memory_space<vmem>>
      %dma_start3A_103 = tpu.memref_slice %arg4[%add3A_69] : memref<16384xi32, #tpu.memory_space<hbm>> -> memref<32xi32, #tpu.memory_space<hbm>>
      %dma_start3A_104 = arith.constant 32 : i32
      %dma_start3A_105 = tpu.memref_slice %arg8[%dma_start3A_104] : memref<64xi32, #tpu.memory_space<vmem>> -> memref<32xi32, #tpu.memory_space<vmem>>
      %dma_start3A_106 = tpu.memref_slice %arg4[%add3A_69] : memref<16384xi32, #tpu.memory_space<hbm>> -> memref<32xi32, #tpu.memory_space<hbm>>
      tpu.enqueue_dma source(%dma_start3A_106 : memref<32xi32, #tpu.memory_space<hbm>>) target(%dma_start3A_105 : memref<32xi32, #tpu.memory_space<vmem>>) target_semaphore(%run_scoped3A : memref<!tpu.dma_semaphore, #tpu.memory_space<semaphore_mem>>)
      %dma_wait3A_107 = arith.constant 32 : i32
      %dma_wait3A_108 = tpu.memref_slice %arg8[%dma_wait3A_107] : memref<64xi32, #tpu.memory_space<vmem>> -> memref<32xi32, #tpu.memory_space<vmem>>
      %dma_wait3A_109 = tpu.memref_slice %arg4[%add3A_69] : memref<16384xi32, #tpu.memory_space<hbm>> -> memref<32xi32, #tpu.memory_space<hbm>>
      %dma_wait3A_110 = arith.constant 32 : i32
      %dma_wait3A_111 = tpu.memref_slice %arg8[%dma_wait3A_110] : memref<64xi32, #tpu.memory_space<vmem>> -> memref<32xi32, #tpu.memory_space<vmem>>
      %dma_wait3A_112 = tpu.memref_slice %arg4[%add3A_69] : memref<16384xi32, #tpu.memory_space<hbm>> -> memref<32xi32, #tpu.memory_space<hbm>>
      tpu.wait_dma2 semaphore(%run_scoped3A : memref<!tpu.dma_semaphore, #tpu.memory_space<semaphore_mem>>) src(%dma_wait3A_112 : memref<32xi32, #tpu.memory_space<hbm>>) dst(%dma_wait3A_111 : memref<32xi32, #tpu.memory_space<vmem>>)
      tpu.yield
    }) : () -> ()
    %dma_start3A_70 = arith.constant 0 : i32
    %dma_start3A_71 = arith.constant 0 : i32
    %dma_start3A_72 = tpu.memref_slice %arg2[%dma_start3A_70, %dma_start3A_71] : memref<512x512xi32, #tpu.memory_space<hbm>> -> memref<512x512xi32, #tpu.memory_space<hbm>>
    tpu.enqueue_indirect_dma source(%dma_start3A_72 : memref<512x512xi32, #tpu.memory_space<hbm>>) target(%arg10 : memref<64x512xi32, #tpu.memory_space<vmem>>) offsets(%arg8 : memref<64xi32, #tpu.memory_space<vmem>>) semaphore(%arg12 : memref<!tpu.dma_semaphore, #tpu.memory_space<semaphore_mem>>)
    %dma_wait3A_73 = arith.constant 0 : i32
    %dma_wait3A_74 = arith.constant 0 : i32
    %dma_wait3A_75 = tpu.memref_slice %arg2[%dma_wait3A_73, %dma_wait3A_74] : memref<512x512xi32, #tpu.memory_space<hbm>> -> memref<512x512xi32, #tpu.memory_space<hbm>>
    tpu.wait_indirect_dma semaphore(%arg11 : memref<!tpu.dma_semaphore, #tpu.memory_space<semaphore_mem>>) src(%dma_wait3A_75 : memref<512x512xi32, #tpu.memory_space<hbm>>) dst(%arg9 : memref<64x512xi32, #tpu.memory_space<vmem>>)
    %add3A_76 = arith.constant 128 : i32
    %add3A_77 = arith.addi %mul3A_2, %add3A_76 : i32
    "tpu.region"() ({
      %run_scoped3A = tpu.sem_alloc : memref<!tpu.dma_semaphore, #tpu.memory_space<semaphore_mem>>
      %dma_start3A_101 = arith.constant 0 : i32
      %dma_start3A_102 = arith.constant 0 : i32
      %dma_start3A_103 = tpu.memref_slice %arg9[%dma_start3A_101, %dma_start3A_102] : memref<64x512xi32, #tpu.memory_space<vmem>> -> memref<32x512xi32, #tpu.memory_space<vmem>>
      %dma_start3A_104 = arith.constant 0 : i32
      %dma_start3A_105 = tpu.memref_slice %arg5[%add3A_77, %dma_start3A_104] : memref<7168x512xi32, #tpu.memory_space<hbm>> -> memref<32x512xi32, #tpu.memory_space<hbm>>
      %dma_start3A_106 = arith.constant 0 : i32
      %dma_start3A_107 = tpu.memref_slice %arg5[%add3A_77, %dma_start3A_106] : memref<7168x512xi32, #tpu.memory_space<hbm>> -> memref<32x512xi32, #tpu.memory_space<hbm>>
      %dma_start3A_108 = arith.constant 0 : i32
      %dma_start3A_109 = arith.constant 0 : i32
      %dma_start3A_110 = tpu.memref_slice %arg9[%dma_start3A_108, %dma_start3A_109] : memref<64x512xi32, #tpu.memory_space<vmem>> -> memref<32x512xi32, #tpu.memory_space<vmem>>
      tpu.enqueue_dma source(%dma_start3A_110 : memref<32x512xi32, #tpu.memory_space<vmem>>) target(%dma_start3A_107 : memref<32x512xi32, #tpu.memory_space<hbm>>) target_semaphore(%run_scoped3A : memref<!tpu.dma_semaphore, #tpu.memory_space<semaphore_mem>>)
      %dma_wait3A_111 = arith.constant 0 : i32
      %dma_wait3A_112 = arith.constant 0 : i32
      %dma_wait3A_113 = tpu.memref_slice %arg9[%dma_wait3A_111, %dma_wait3A_112] : memref<64x512xi32, #tpu.memory_space<vmem>> -> memref<32x512xi32, #tpu.memory_space<vmem>>
      %dma_wait3A_114 = arith.constant 0 : i32
      %dma_wait3A_115 = tpu.memref_slice %arg5[%add3A_77, %dma_wait3A_114] : memref<7168x512xi32, #tpu.memory_space<hbm>> -> memref<32x512xi32, #tpu.memory_space<hbm>>
      %dma_wait3A_116 = arith.constant 0 : i32
      %dma_wait3A_117 = tpu.memref_slice %arg5[%add3A_77, %dma_wait3A_116] : memref<7168x512xi32, #tpu.memory_space<hbm>> -> memref<32x512xi32, #tpu.memory_space<hbm>>
      %dma_wait3A_118 = arith.constant 0 : i32
      %dma_wait3A_119 = arith.constant 0 : i32
      %dma_wait3A_120 = tpu.memref_slice %arg9[%dma_wait3A_118, %dma_wait3A_119] : memref<64x512xi32, #tpu.memory_space<vmem>> -> memref<32x512xi32, #tpu.memory_space<vmem>>
      tpu.wait_dma2 semaphore(%run_scoped3A : memref<!tpu.dma_semaphore, #tpu.memory_space<semaphore_mem>>) src(%dma_wait3A_120 : memref<32x512xi32, #tpu.memory_space<vmem>>) dst(%dma_wait3A_117 : memref<32x512xi32, #tpu.memory_space<hbm>>)
      tpu.yield
    }) : () -> ()
    %add3A_78 = arith.constant 128 : i32
    %add3A_79 = arith.addi %mul3A_2, %add3A_78 : i32
    "tpu.region"() ({
      %run_scoped3A = tpu.sem_alloc : memref<!tpu.dma_semaphore, #tpu.memory_space<semaphore_mem>>
      %dma_start3A_101 = arith.constant 32 : i32
      %dma_start3A_102 = arith.constant 0 : i32
      %dma_start3A_103 = tpu.memref_slice %arg9[%dma_start3A_101, %dma_start3A_102] : memref<64x512xi32, #tpu.memory_space<vmem>> -> memref<32x512xi32, #tpu.memory_space<vmem>>
      %dma_start3A_104 = arith.constant 0 : i32
      %dma_start3A_105 = tpu.memref_slice %arg6[%add3A_79, %dma_start3A_104] : memref<7168x512xi32, #tpu.memory_space<hbm>> -> memref<32x512xi32, #tpu.memory_space<hbm>>
      %dma_start3A_106 = arith.constant 0 : i32
      %dma_start3A_107 = tpu.memref_slice %arg6[%add3A_79, %dma_start3A_106] : memref<7168x512xi32, #tpu.memory_space<hbm>> -> memref<32x512xi32, #tpu.memory_space<hbm>>
      %dma_start3A_108 = arith.constant 32 : i32
      %dma_start3A_109 = arith.constant 0 : i32
      %dma_start3A_110 = tpu.memref_slice %arg9[%dma_start3A_108, %dma_start3A_109] : memref<64x512xi32, #tpu.memory_space<vmem>> -> memref<32x512xi32, #tpu.memory_space<vmem>>
      tpu.enqueue_dma source(%dma_start3A_110 : memref<32x512xi32, #tpu.memory_space<vmem>>) target(%dma_start3A_107 : memref<32x512xi32, #tpu.memory_space<hbm>>) target_semaphore(%run_scoped3A : memref<!tpu.dma_semaphore, #tpu.memory_space<semaphore_mem>>)
      %dma_wait3A_111 = arith.constant 32 : i32
      %dma_wait3A_112 = arith.constant 0 : i32
      %dma_wait3A_113 = tpu.memref_slice %arg9[%dma_wait3A_111, %dma_wait3A_112] : memref<64x512xi32, #tpu.memory_space<vmem>> -> memref<32x512xi32, #tpu.memory_space<vmem>>
      %dma_wait3A_114 = arith.constant 0 : i32
      %dma_wait3A_115 = tpu.memref_slice %arg6[%add3A_79, %dma_wait3A_114] : memref<7168x512xi32, #tpu.memory_space<hbm>> -> memref<32x512xi32, #tpu.memory_space<hbm>>
      %dma_wait3A_116 = arith.constant 0 : i32
      %dma_wait3A_117 = tpu.memref_slice %arg6[%add3A_79, %dma_wait3A_116] : memref<7168x512xi32, #tpu.memory_space<hbm>> -> memref<32x512xi32, #tpu.memory_space<hbm>>
      %dma_wait3A_118 = arith.constant 32 : i32
      %dma_wait3A_119 = arith.constant 0 : i32
      %dma_wait3A_120 = tpu.memref_slice %arg9[%dma_wait3A_118, %dma_wait3A_119] : memref<64x512xi32, #tpu.memory_space<vmem>> -> memref<32x512xi32, #tpu.memory_space<vmem>>
      tpu.wait_dma2 semaphore(%run_scoped3A : memref<!tpu.dma_semaphore, #tpu.memory_space<semaphore_mem>>) src(%dma_wait3A_120 : memref<32x512xi32, #tpu.memory_space<vmem>>) dst(%dma_wait3A_117 : memref<32x512xi32, #tpu.memory_space<hbm>>)
      tpu.yield
    }) : () -> ()
    %add3A_80 = arith.constant 192 : i32
    %add3A_81 = arith.addi %add3A_4, %add3A_80 : i32
    "tpu.region"() ({
      %run_scoped3A = tpu.sem_alloc : memref<!tpu.dma_semaphore, #tpu.memory_space<semaphore_mem>>
      %dma_start3A_101 = arith.constant 0 : i32
      %dma_start3A_102 = tpu.memref_slice %arg7[%dma_start3A_101] : memref<64xi32, #tpu.memory_space<vmem>> -> memref<32xi32, #tpu.memory_space<vmem>>
      %dma_start3A_103 = tpu.memref_slice %arg3[%add3A_81] : memref<16384xi32, #tpu.memory_space<hbm>> -> memref<32xi32, #tpu.memory_space<hbm>>
      %dma_start3A_104 = arith.constant 0 : i32
      %dma_start3A_105 = tpu.memref_slice %arg7[%dma_start3A_104] : memref<64xi32, #tpu.memory_space<vmem>> -> memref<32xi32, #tpu.memory_space<vmem>>
      %dma_start3A_106 = tpu.memref_slice %arg3[%add3A_81] : memref<16384xi32, #tpu.memory_space<hbm>> -> memref<32xi32, #tpu.memory_space<hbm>>
      tpu.enqueue_dma source(%dma_start3A_106 : memref<32xi32, #tpu.memory_space<hbm>>) target(%dma_start3A_105 : memref<32xi32, #tpu.memory_space<vmem>>) target_semaphore(%run_scoped3A : memref<!tpu.dma_semaphore, #tpu.memory_space<semaphore_mem>>)
      %dma_wait3A_107 = arith.constant 0 : i32
      %dma_wait3A_108 = tpu.memref_slice %arg7[%dma_wait3A_107] : memref<64xi32, #tpu.memory_space<vmem>> -> memref<32xi32, #tpu.memory_space<vmem>>
      %dma_wait3A_109 = tpu.memref_slice %arg3[%add3A_81] : memref<16384xi32, #tpu.memory_space<hbm>> -> memref<32xi32, #tpu.memory_space<hbm>>
      %dma_wait3A_110 = arith.constant 0 : i32
      %dma_wait3A_111 = tpu.memref_slice %arg7[%dma_wait3A_110] : memref<64xi32, #tpu.memory_space<vmem>> -> memref<32xi32, #tpu.memory_space<vmem>>
      %dma_wait3A_112 = tpu.memref_slice %arg3[%add3A_81] : memref<16384xi32, #tpu.memory_space<hbm>> -> memref<32xi32, #tpu.memory_space<hbm>>
      tpu.wait_dma2 semaphore(%run_scoped3A : memref<!tpu.dma_semaphore, #tpu.memory_space<semaphore_mem>>) src(%dma_wait3A_112 : memref<32xi32, #tpu.memory_space<hbm>>) dst(%dma_wait3A_111 : memref<32xi32, #tpu.memory_space<vmem>>)
      tpu.yield
    }) : () -> ()
    %add3A_82 = arith.constant 192 : i32
    %add3A_83 = arith.addi %add3A_4, %add3A_82 : i32
    "tpu.region"() ({
      %run_scoped3A = tpu.sem_alloc : memref<!tpu.dma_semaphore, #tpu.memory_space<semaphore_mem>>
      %dma_start3A_101 = arith.constant 32 : i32
      %dma_start3A_102 = tpu.memref_slice %arg7[%dma_start3A_101] : memref<64xi32, #tpu.memory_space<vmem>> -> memref<32xi32, #tpu.memory_space<vmem>>
      %dma_start3A_103 = tpu.memref_slice %arg4[%add3A_83] : memref<16384xi32, #tpu.memory_space<hbm>> -> memref<32xi32, #tpu.memory_space<hbm>>
      %dma_start3A_104 = arith.constant 32 : i32
      %dma_start3A_105 = tpu.memref_slice %arg7[%dma_start3A_104] : memref<64xi32, #tpu.memory_space<vmem>> -> memref<32xi32, #tpu.memory_space<vmem>>
      %dma_start3A_106 = tpu.memref_slice %arg4[%add3A_83] : memref<16384xi32, #tpu.memory_space<hbm>> -> memref<32xi32, #tpu.memory_space<hbm>>
      tpu.enqueue_dma source(%dma_start3A_106 : memref<32xi32, #tpu.memory_space<hbm>>) target(%dma_start3A_105 : memref<32xi32, #tpu.memory_space<vmem>>) target_semaphore(%run_scoped3A : memref<!tpu.dma_semaphore, #tpu.memory_space<semaphore_mem>>)
      %dma_wait3A_107 = arith.constant 32 : i32
      %dma_wait3A_108 = tpu.memref_slice %arg7[%dma_wait3A_107] : memref<64xi32, #tpu.memory_space<vmem>> -> memref<32xi32, #tpu.memory_space<vmem>>
      %dma_wait3A_109 = tpu.memref_slice %arg4[%add3A_83] : memref<16384xi32, #tpu.memory_space<hbm>> -> memref<32xi32, #tpu.memory_space<hbm>>
      %dma_wait3A_110 = arith.constant 32 : i32
      %dma_wait3A_111 = tpu.memref_slice %arg7[%dma_wait3A_110] : memref<64xi32, #tpu.memory_space<vmem>> -> memref<32xi32, #tpu.memory_space<vmem>>
      %dma_wait3A_112 = tpu.memref_slice %arg4[%add3A_83] : memref<16384xi32, #tpu.memory_space<hbm>> -> memref<32xi32, #tpu.memory_space<hbm>>
      tpu.wait_dma2 semaphore(%run_scoped3A : memref<!tpu.dma_semaphore, #tpu.memory_space<semaphore_mem>>) src(%dma_wait3A_112 : memref<32xi32, #tpu.memory_space<hbm>>) dst(%dma_wait3A_111 : memref<32xi32, #tpu.memory_space<vmem>>)
      tpu.yield
    }) : () -> ()
    %dma_start3A_84 = arith.constant 0 : i32
    %dma_start3A_85 = arith.constant 0 : i32
    %dma_start3A_86 = tpu.memref_slice %arg2[%dma_start3A_84, %dma_start3A_85] : memref<512x512xi32, #tpu.memory_space<hbm>> -> memref<512x512xi32, #tpu.memory_space<hbm>>
    tpu.enqueue_indirect_dma source(%dma_start3A_86 : memref<512x512xi32, #tpu.memory_space<hbm>>) target(%arg9 : memref<64x512xi32, #tpu.memory_space<vmem>>) offsets(%arg7 : memref<64xi32, #tpu.memory_space<vmem>>) semaphore(%arg11 : memref<!tpu.dma_semaphore, #tpu.memory_space<semaphore_mem>>)
    %dma_wait3A_87 = arith.constant 0 : i32
    %dma_wait3A_88 = arith.constant 0 : i32
    %dma_wait3A_89 = tpu.memref_slice %arg2[%dma_wait3A_87, %dma_wait3A_88] : memref<512x512xi32, #tpu.memory_space<hbm>> -> memref<512x512xi32, #tpu.memory_space<hbm>>
    tpu.wait_indirect_dma semaphore(%arg12 : memref<!tpu.dma_semaphore, #tpu.memory_space<semaphore_mem>>) src(%dma_wait3A_89 : memref<512x512xi32, #tpu.memory_space<hbm>>) dst(%arg10 : memref<64x512xi32, #tpu.memory_space<vmem>>)
    %add3A_90 = arith.constant 160 : i32
    %add3A_91 = arith.addi %mul3A_2, %add3A_90 : i32
    "tpu.region"() ({
      %run_scoped3A = tpu.sem_alloc : memref<!tpu.dma_semaphore, #tpu.memory_space<semaphore_mem>>
      %dma_start3A_101 = arith.constant 0 : i32
      %dma_start3A_102 = arith.constant 0 : i32
      %dma_start3A_103 = tpu.memref_slice %arg10[%dma_start3A_101, %dma_start3A_102] : memref<64x512xi32, #tpu.memory_space<vmem>> -> memref<32x512xi32, #tpu.memory_space<vmem>>
      %dma_start3A_104 = arith.constant 0 : i32
      %dma_start3A_105 = tpu.memref_slice %arg5[%add3A_91, %dma_start3A_104] : memref<7168x512xi32, #tpu.memory_space<hbm>> -> memref<32x512xi32, #tpu.memory_space<hbm>>
      %dma_start3A_106 = arith.constant 0 : i32
      %dma_start3A_107 = tpu.memref_slice %arg5[%add3A_91, %dma_start3A_106] : memref<7168x512xi32, #tpu.memory_space<hbm>> -> memref<32x512xi32, #tpu.memory_space<hbm>>
      %dma_start3A_108 = arith.constant 0 : i32
      %dma_start3A_109 = arith.constant 0 : i32
      %dma_start3A_110 = tpu.memref_slice %arg10[%dma_start3A_108, %dma_start3A_109] : memref<64x512xi32, #tpu.memory_space<vmem>> -> memref<32x512xi32, #tpu.memory_space<vmem>>
      tpu.enqueue_dma source(%dma_start3A_110 : memref<32x512xi32, #tpu.memory_space<vmem>>) target(%dma_start3A_107 : memref<32x512xi32, #tpu.memory_space<hbm>>) target_semaphore(%run_scoped3A : memref<!tpu.dma_semaphore, #tpu.memory_space<semaphore_mem>>)
      %dma_wait3A_111 = arith.constant 0 : i32
      %dma_wait3A_112 = arith.constant 0 : i32
      %dma_wait3A_113 = tpu.memref_slice %arg10[%dma_wait3A_111, %dma_wait3A_112] : memref<64x512xi32, #tpu.memory_space<vmem>> -> memref<32x512xi32, #tpu.memory_space<vmem>>
      %dma_wait3A_114 = arith.constant 0 : i32
      %dma_wait3A_115 = tpu.memref_slice %arg5[%add3A_91, %dma_wait3A_114] : memref<7168x512xi32, #tpu.memory_space<hbm>> -> memref<32x512xi32, #tpu.memory_space<hbm>>
      %dma_wait3A_116 = arith.constant 0 : i32
      %dma_wait3A_117 = tpu.memref_slice %arg5[%add3A_91, %dma_wait3A_116] : memref<7168x512xi32, #tpu.memory_space<hbm>> -> memref<32x512xi32, #tpu.memory_space<hbm>>
      %dma_wait3A_118 = arith.constant 0 : i32
      %dma_wait3A_119 = arith.constant 0 : i32
      %dma_wait3A_120 = tpu.memref_slice %arg10[%dma_wait3A_118, %dma_wait3A_119] : memref<64x512xi32, #tpu.memory_space<vmem>> -> memref<32x512xi32, #tpu.memory_space<vmem>>
      tpu.wait_dma2 semaphore(%run_scoped3A : memref<!tpu.dma_semaphore, #tpu.memory_space<semaphore_mem>>) src(%dma_wait3A_120 : memref<32x512xi32, #tpu.memory_space<vmem>>) dst(%dma_wait3A_117 : memref<32x512xi32, #tpu.memory_space<hbm>>)
      tpu.yield
    }) : () -> ()
    %add3A_92 = arith.constant 160 : i32
    %add3A_93 = arith.addi %mul3A_2, %add3A_92 : i32
    "tpu.region"() ({
      %run_scoped3A = tpu.sem_alloc : memref<!tpu.dma_semaphore, #tpu.memory_space<semaphore_mem>>
      %dma_start3A_101 = arith.constant 32 : i32
      %dma_start3A_102 = arith.constant 0 : i32
      %dma_start3A_103 = tpu.memref_slice %arg10[%dma_start3A_101, %dma_start3A_102] : memref<64x512xi32, #tpu.memory_space<vmem>> -> memref<32x512xi32, #tpu.memory_space<vmem>>
      %dma_start3A_104 = arith.constant 0 : i32
      %dma_start3A_105 = tpu.memref_slice %arg6[%add3A_93, %dma_start3A_104] : memref<7168x512xi32, #tpu.memory_space<hbm>> -> memref<32x512xi32, #tpu.memory_space<hbm>>
      %dma_start3A_106 = arith.constant 0 : i32
      %dma_start3A_107 = tpu.memref_slice %arg6[%add3A_93, %dma_start3A_106] : memref<7168x512xi32, #tpu.memory_space<hbm>> -> memref<32x512xi32, #tpu.memory_space<hbm>>
      %dma_start3A_108 = arith.constant 32 : i32
      %dma_start3A_109 = arith.constant 0 : i32
      %dma_start3A_110 = tpu.memref_slice %arg10[%dma_start3A_108, %dma_start3A_109] : memref<64x512xi32, #tpu.memory_space<vmem>> -> memref<32x512xi32, #tpu.memory_space<vmem>>
      tpu.enqueue_dma source(%dma_start3A_110 : memref<32x512xi32, #tpu.memory_space<vmem>>) target(%dma_start3A_107 : memref<32x512xi32, #tpu.memory_space<hbm>>) target_semaphore(%run_scoped3A : memref<!tpu.dma_semaphore, #tpu.memory_space<semaphore_mem>>)
      %dma_wait3A_111 = arith.constant 32 : i32
      %dma_wait3A_112 = arith.constant 0 : i32
      %dma_wait3A_113 = tpu.memref_slice %arg10[%dma_wait3A_111, %dma_wait3A_112] : memref<64x512xi32, #tpu.memory_space<vmem>> -> memref<32x512xi32, #tpu.memory_space<vmem>>
      %dma_wait3A_114 = arith.constant 0 : i32
      %dma_wait3A_115 = tpu.memref_slice %arg6[%add3A_93, %dma_wait3A_114] : memref<7168x512xi32, #tpu.memory_space<hbm>> -> memref<32x512xi32, #tpu.memory_space<hbm>>
      %dma_wait3A_116 = arith.constant 0 : i32
      %dma_wait3A_117 = tpu.memref_slice %arg6[%add3A_93, %dma_wait3A_116] : memref<7168x512xi32, #tpu.memory_space<hbm>> -> memref<32x512xi32, #tpu.memory_space<hbm>>
      %dma_wait3A_118 = arith.constant 32 : i32
      %dma_wait3A_119 = arith.constant 0 : i32
      %dma_wait3A_120 = tpu.memref_slice %arg10[%dma_wait3A_118, %dma_wait3A_119] : memref<64x512xi32, #tpu.memory_space<vmem>> -> memref<32x512xi32, #tpu.memory_space<vmem>>
      tpu.wait_dma2 semaphore(%run_scoped3A : memref<!tpu.dma_semaphore, #tpu.memory_space<semaphore_mem>>) src(%dma_wait3A_120 : memref<32x512xi32, #tpu.memory_space<vmem>>) dst(%dma_wait3A_117 : memref<32x512xi32, #tpu.memory_space<hbm>>)
      tpu.yield
    }) : () -> ()
    %dma_wait3A_94 = arith.constant 0 : i32
    %dma_wait3A_95 = arith.constant 0 : i32
    %dma_wait3A_96 = tpu.memref_slice %arg2[%dma_wait3A_94, %dma_wait3A_95] : memref<512x512xi32, #tpu.memory_space<hbm>> -> memref<512x512xi32, #tpu.memory_space<hbm>>
    tpu.wait_indirect_dma semaphore(%arg11 : memref<!tpu.dma_semaphore, #tpu.memory_space<semaphore_mem>>) src(%dma_wait3A_96 : memref<512x512xi32, #tpu.memory_space<hbm>>) dst(%arg9 : memref<64x512xi32, #tpu.memory_space<vmem>>)
    %add3A_97 = arith.constant 192 : i32
    %add3A_98 = arith.addi %mul3A_2, %add3A_97 : i32
    "tpu.region"() ({
      %run_scoped3A = tpu.sem_alloc : memref<!tpu.dma_semaphore, #tpu.memory_space<semaphore_mem>>
      %dma_start3A_101 = arith.constant 0 : i32
      %dma_start3A_102 = arith.constant 0 : i32
      %dma_start3A_103 = tpu.memref_slice %arg9[%dma_start3A_101, %dma_start3A_102] : memref<64x512xi32, #tpu.memory_space<vmem>> -> memref<32x512xi32, #tpu.memory_space<vmem>>
      %dma_start3A_104 = arith.constant 0 : i32
      %dma_start3A_105 = tpu.memref_slice %arg5[%add3A_98, %dma_start3A_104] : memref<7168x512xi32, #tpu.memory_space<hbm>> -> memref<32x512xi32, #tpu.memory_space<hbm>>
      %dma_start3A_106 = arith.constant 0 : i32
      %dma_start3A_107 = tpu.memref_slice %arg5[%add3A_98, %dma_start3A_106] : memref<7168x512xi32, #tpu.memory_space<hbm>> -> memref<32x512xi32, #tpu.memory_space<hbm>>
      %dma_start3A_108 = arith.constant 0 : i32
      %dma_start3A_109 = arith.constant 0 : i32
      %dma_start3A_110 = tpu.memref_slice %arg9[%dma_start3A_108, %dma_start3A_109] : memref<64x512xi32, #tpu.memory_space<vmem>> -> memref<32x512xi32, #tpu.memory_space<vmem>>
      tpu.enqueue_dma source(%dma_start3A_110 : memref<32x512xi32, #tpu.memory_space<vmem>>) target(%dma_start3A_107 : memref<32x512xi32, #tpu.memory_space<hbm>>) target_semaphore(%run_scoped3A : memref<!tpu.dma_semaphore, #tpu.memory_space<semaphore_mem>>)
      %dma_wait3A_111 = arith.constant 0 : i32
      %dma_wait3A_112 = arith.constant 0 : i32
      %dma_wait3A_113 = tpu.memref_slice %arg9[%dma_wait3A_111, %dma_wait3A_112] : memref<64x512xi32, #tpu.memory_space<vmem>> -> memref<32x512xi32, #tpu.memory_space<vmem>>
      %dma_wait3A_114 = arith.constant 0 : i32
      %dma_wait3A_115 = tpu.memref_slice %arg5[%add3A_98, %dma_wait3A_114] : memref<7168x512xi32, #tpu.memory_space<hbm>> -> memref<32x512xi32, #tpu.memory_space<hbm>>
      %dma_wait3A_116 = arith.constant 0 : i32
      %dma_wait3A_117 = tpu.memref_slice %arg5[%add3A_98, %dma_wait3A_116] : memref<7168x512xi32, #tpu.memory_space<hbm>> -> memref<32x512xi32, #tpu.memory_space<hbm>>
      %dma_wait3A_118 = arith.constant 0 : i32
      %dma_wait3A_119 = arith.constant 0 : i32
      %dma_wait3A_120 = tpu.memref_slice %arg9[%dma_wait3A_118, %dma_wait3A_119] : memref<64x512xi32, #tpu.memory_space<vmem>> -> memref<32x512xi32, #tpu.memory_space<vmem>>
      tpu.wait_dma2 semaphore(%run_scoped3A : memref<!tpu.dma_semaphore, #tpu.memory_space<semaphore_mem>>) src(%dma_wait3A_120 : memref<32x512xi32, #tpu.memory_space<vmem>>) dst(%dma_wait3A_117 : memref<32x512xi32, #tpu.memory_space<hbm>>)
      tpu.yield
    }) : () -> ()
    %add3A_99 = arith.constant 192 : i32
    %add3A_100 = arith.addi %mul3A_2, %add3A_99 : i32
    "tpu.region"() ({
      %run_scoped3A = tpu.sem_alloc : memref<!tpu.dma_semaphore, #tpu.memory_space<semaphore_mem>>
      %dma_start3A_101 = arith.constant 32 : i32
      %dma_start3A_102 = arith.constant 0 : i32
      %dma_start3A_103 = tpu.memref_slice %arg9[%dma_start3A_101, %dma_start3A_102] : memref<64x512xi32, #tpu.memory_space<vmem>> -> memref<32x512xi32, #tpu.memory_space<vmem>>
      %dma_start3A_104 = arith.constant 0 : i32
      %dma_start3A_105 = tpu.memref_slice %arg6[%add3A_100, %dma_start3A_104] : memref<7168x512xi32, #tpu.memory_space<hbm>> -> memref<32x512xi32, #tpu.memory_space<hbm>>
      %dma_start3A_106 = arith.constant 0 : i32
      %dma_start3A_107 = tpu.memref_slice %arg6[%add3A_100, %dma_start3A_106] : memref<7168x512xi32, #tpu.memory_space<hbm>> -> memref<32x512xi32, #tpu.memory_space<hbm>>
      %dma_start3A_108 = arith.constant 32 : i32
      %dma_start3A_109 = arith.constant 0 : i32
      %dma_start3A_110 = tpu.memref_slice %arg9[%dma_start3A_108, %dma_start3A_109] : memref<64x512xi32, #tpu.memory_space<vmem>> -> memref<32x512xi32, #tpu.memory_space<vmem>>
      tpu.enqueue_dma source(%dma_start3A_110 : memref<32x512xi32, #tpu.memory_space<vmem>>) target(%dma_start3A_107 : memref<32x512xi32, #tpu.memory_space<hbm>>) target_semaphore(%run_scoped3A : memref<!tpu.dma_semaphore, #tpu.memory_space<semaphore_mem>>)
      %dma_wait3A_111 = arith.constant 32 : i32
      %dma_wait3A_112 = arith.constant 0 : i32
      %dma_wait3A_113 = tpu.memref_slice %arg9[%dma_wait3A_111, %dma_wait3A_112] : memref<64x512xi32, #tpu.memory_space<vmem>> -> memref<32x512xi32, #tpu.memory_space<vmem>>
      %dma_wait3A_114 = arith.constant 0 : i32
      %dma_wait3A_115 = tpu.memref_slice %arg6[%add3A_100, %dma_wait3A_114] : memref<7168x512xi32, #tpu.memory_space<hbm>> -> memref<32x512xi32, #tpu.memory_space<hbm>>
      %dma_wait3A_116 = arith.constant 0 : i32
      %dma_wait3A_117 = tpu.memref_slice %arg6[%add3A_100, %dma_wait3A_116] : memref<7168x512xi32, #tpu.memory_space<hbm>> -> memref<32x512xi32, #tpu.memory_space<hbm>>
      %dma_wait3A_118 = arith.constant 32 : i32
      %dma_wait3A_119 = arith.constant 0 : i32
      %dma_wait3A_120 = tpu.memref_slice %arg9[%dma_wait3A_118, %dma_wait3A_119] : memref<64x512xi32, #tpu.memory_space<vmem>> -> memref<32x512xi32, #tpu.memory_space<vmem>>
      tpu.wait_dma2 semaphore(%run_scoped3A : memref<!tpu.dma_semaphore, #tpu.memory_space<semaphore_mem>>) src(%dma_wait3A_120 : memref<32x512xi32, #tpu.memory_space<vmem>>) dst(%dma_wait3A_117 : memref<32x512xi32, #tpu.memory_space<hbm>>)
      tpu.yield
    }) : () -> ()
    return
  }
}

module attributes {stable_mosaic.version = 14 : i64} {
  func.func @_precompute_body(%arg0: memref<200x1024xf32, #tpu.memory_space<vmem>>, %arg1: memref<200x1024xf32, #tpu.memory_space<vmem>>, %arg2: memref<1024x1024xf32, #tpu.memory_space<vmem>>, %arg3: memref<1024x1024xf32, #tpu.memory_space<vmem>>, %arg4: memref<1x1024xf32, #tpu.memory_space<vmem>>, %arg5: memref<512x1024xbf16, #tpu.memory_space<vmem>>) attributes {dimension_semantics = [], scalar_prefetch = 0 : i64, scratch_operands = 0 : i64, tpu.core_type = #tpu.core_type<tc>} {
    %get3A = arith.constant 0 : index
    %get3A_0 = arith.constant 0 : index
    %get3A_1 = vector.load %arg2[%get3A, %get3A_0] : memref<1024x1024xf32, #tpu.memory_space<vmem>>, vector<1024x1024xf32>
    %convert_element_type3A = arith.truncf %get3A_1 : vector<1024x1024xf32> to vector<1024x1024xbf16>
    %get3A_2 = arith.constant 0 : index
    %get3A_3 = arith.constant 0 : index
    %get3A_4 = vector.load %arg3[%get3A_2, %get3A_3] : memref<1024x1024xf32, #tpu.memory_space<vmem>>, vector<1024x1024xf32>
    %convert_element_type3A_5 = arith.truncf %get3A_4 : vector<1024x1024xf32> to vector<1024x1024xbf16>
    %get3A_6 = arith.constant 0 : index
    %get3A_7 = arith.constant 0 : index
    %get3A_8 = vector.load %arg0[%get3A_6, %get3A_7] : memref<200x1024xf32, #tpu.memory_space<vmem>>, vector<200x1024xf32>
    %convert_element_type3A_9 = arith.truncf %get3A_8 : vector<200x1024xf32> to vector<200x1024xbf16>
    %dot_general3A = arith.constant dense<0.000000e+00> : vector<200x1024xf32>
    %dot_general3A_10 = tpu.matmul %convert_element_type3A_9, %convert_element_type3A, %dot_general3A {dimension_numbers = #tpu.dot_dimension_numbers<[1], [0], [0], [1], [0, 0, 1, 1], [], []>, transpose_lhs_hint = false} : vector<200x1024xbf16>, vector<1024x1024xbf16>, vector<200x1024xf32> -> vector<200x1024xf32>
    %get3A_11 = arith.constant 0 : index
    %get3A_12 = arith.constant 0 : index
    %get3A_13 = vector.load %arg1[%get3A_11, %get3A_12] : memref<200x1024xf32, #tpu.memory_space<vmem>>, vector<200x1024xf32>
    %convert_element_type3A_14 = arith.truncf %get3A_13 : vector<200x1024xf32> to vector<200x1024xbf16>
    %dot_general3A_15 = arith.constant dense<0.000000e+00> : vector<200x1024xf32>
    %dot_general3A_16 = tpu.matmul %convert_element_type3A_14, %convert_element_type3A_5, %dot_general3A_15 {dimension_numbers = #tpu.dot_dimension_numbers<[1], [0], [0], [1], [0, 0, 1, 1], [], []>, transpose_lhs_hint = false} : vector<200x1024xbf16>, vector<1024x1024xbf16>, vector<200x1024xf32> -> vector<200x1024xf32>
    %convert_element_type3A_17 = arith.truncf %dot_general3A_10 : vector<200x1024xf32> to vector<200x1024xbf16>
    %swap3A = arith.constant 0 : index
    %swap3A_18 = arith.constant 0 : index
    %swap3A_19 = vector.load %arg5[%swap3A, %swap3A_18] : memref<512x1024xbf16, #tpu.memory_space<vmem>>, vector<200x1024xbf16>
    tpu.vector_store %arg5[%swap3A, %swap3A_18], %convert_element_type3A_17 {strides = array<i32>} : memref<512x1024xbf16, #tpu.memory_space<vmem>>, vector<200x1024xbf16>,
    %get3A_20 = arith.constant 0 : index
    %get3A_21 = arith.constant 0 : index
    %get3A_22 = vector.load %arg4[%get3A_20, %get3A_21] : memref<1x1024xf32, #tpu.memory_space<vmem>>, vector<1x1024xf32>
    %add3A = vector.broadcast %get3A_22 : vector<1x1024xf32> to vector<200x1024xf32>
    %add3A_23 = arith.addf %dot_general3A_16, %add3A : vector<200x1024xf32>
    %convert_element_type3A_24 = arith.truncf %add3A_23 : vector<200x1024xf32> to vector<200x1024xbf16>
    %swap3A_25 = arith.constant 256 : index
    %swap3A_26 = arith.constant 0 : index
    %swap3A_27 = vector.load %arg5[%swap3A_25, %swap3A_26] : memref<512x1024xbf16, #tpu.memory_space<vmem>>, vector<200x1024xbf16>
    tpu.vector_store %arg5[%swap3A_25, %swap3A_26], %convert_element_type3A_24 {strides = array<i32>} : memref<512x1024xbf16, #tpu.memory_space<vmem>>, vector<200x1024xbf16>,
    %broadcast_in_dim3A = arith.constant 0.000000e+00 : bf16
    %broadcast_in_dim3A_28 = vector.broadcast %broadcast_in_dim3A : bf16 to vector<56x1024xbf16>
    %swap3A_29 = arith.constant 200 : index
    %swap3A_30 = arith.constant 0 : index
    %swap3A_31 = vector.load %arg5[%swap3A_29, %swap3A_30] : memref<512x1024xbf16, #tpu.memory_space<vmem>>, vector<56x1024xbf16>
    tpu.vector_store %arg5[%swap3A_29, %swap3A_30], %broadcast_in_dim3A_28 {strides = array<i32>} : memref<512x1024xbf16, #tpu.memory_space<vmem>>, vector<56x1024xbf16>,
    %swap3A_32 = arith.constant 456 : index
    %swap3A_33 = arith.constant 0 : index
    %swap3A_34 = vector.load %arg5[%swap3A_32, %swap3A_33] : memref<512x1024xbf16, #tpu.memory_space<vmem>>, vector<56x1024xbf16>
    tpu.vector_store %arg5[%swap3A_32, %swap3A_33], %broadcast_in_dim3A_28 {strides = array<i32>} : memref<512x1024xbf16, #tpu.memory_space<vmem>>, vector<56x1024xbf16>,
    return
  }
}

module attributes {stable_mosaic.version = 14 : i64} {
  func.func @_onehot_body(%arg0: i32, %arg1: memref<512xi32, #tpu.memory_space<vmem>>, %arg2: memref<512xi32, #tpu.memory_space<vmem>>, %arg3: memref<512x1024xbf16, #tpu.memory_space<vmem>>, %arg4: memref<1024x512xbf16, #tpu.memory_space<vmem>>, %arg5: memref<1x512xf32, #tpu.memory_space<vmem>>, %arg6: memref<512x512xf32, #tpu.memory_space<vmem>>) attributes {dimension_semantics = [#tpu.dimension_semantics<arbitrary>], iteration_bounds = array<i64: 18>, scalar_prefetch = 0 : i64, scratch_operands = 0 : i64, tpu.core_type = #tpu.core_type<tc>, window_params = [{transform_indices = @transform_0, window_bounds = array<i64: 512>}, {transform_indices = @transform_1, window_bounds = array<i64: 512>}, {pipeline_mode = #tpu.pipeline_mode<synchronous>, transform_indices = @transform_2, window_bounds = array<i64: 512, 1024>}, {pipeline_mode = #tpu.pipeline_mode<synchronous>, transform_indices = @transform_3, window_bounds = array<i64: 1024, 512>}, {pipeline_mode = #tpu.pipeline_mode<synchronous>, transform_indices = @transform_4, window_bounds = array<i64: 1, 512>}, {transform_indices = @transform_5, window_bounds = array<i64: 512, 512>}]} {
    %get3A = arith.constant 0 : index
    %get3A_0 = vector.load %arg1[%get3A] : memref<512xi32, #tpu.memory_space<vmem>>, vector<512xi32>
    %get3A_1 = arith.constant 0 : index
    %get3A_2 = vector.load %arg2[%get3A_1] : memref<512xi32, #tpu.memory_space<vmem>>, vector<512xi32>
    %add3A = arith.constant 256 : i32
    %add3A_3 = vector.broadcast %add3A : i32 to vector<512xi32>
    %add3A_4 = arith.addi %get3A_2, %add3A_3 : vector<512xi32>
    %iota3A = tpu.iota {dimensions = array<i32: 0>} : vector<512x512xi32>
    %broadcast_in_dim3A = vector.shape_cast %get3A_0 : vector<512xi32> to vector<1x512xi32>
    %eq3A = vector.broadcast %broadcast_in_dim3A : vector<1x512xi32> to vector<512x512xi32>
    %eq3A_5 = arith.cmpi eq, %iota3A, %eq3A : vector<512x512xi32>
    %broadcast_in_dim3A_6 = vector.shape_cast %add3A_4 : vector<512xi32> to vector<1x512xi32>
    %eq3A_7 = vector.broadcast %broadcast_in_dim3A_6 : vector<1x512xi32> to vector<512x512xi32>
    %eq3A_8 = arith.cmpi eq, %iota3A, %eq3A_7 : vector<512x512xi32>
    %or3A = arith.ori %eq3A_5, %eq3A_8 : vector<512x512xi1>
    %convert_element_type3A = arith.extui %or3A : vector<512x512xi1> to vector<512x512xi32>
    %convert_element_type3A_9 = arith.sitofp %convert_element_type3A : vector<512x512xi32> to vector<512x512xf32>
    %convert_element_type3A_10 = arith.truncf %convert_element_type3A_9 : vector<512x512xf32> to vector<512x512xbf16>
    %get3A_11 = arith.constant 0 : index
    %get3A_12 = arith.constant 0 : index
    %get3A_13 = vector.load %arg3[%get3A_11, %get3A_12] : memref<512x1024xbf16, #tpu.memory_space<vmem>>, vector<512x1024xbf16>
    %dot_general3A = arith.constant dense<0.000000e+00> : vector<512x1024xf32>
    %dot_general3A_14 = tpu.matmul %convert_element_type3A_10, %get3A_13, %dot_general3A {dimension_numbers = #tpu.dot_dimension_numbers<[0], [0], [1], [1], [0, 1, 1, 1], [], []>, transpose_lhs_hint = false} : vector<512x512xbf16>, vector<512x1024xbf16>, vector<512x1024xf32> -> vector<512x1024xf32>
    %max3A = arith.constant 0.000000e+00 : f32
    %max3A_15 = vector.broadcast %max3A : f32 to vector<512x1024xf32>
    %max3A_16 = arith.maximumf %dot_general3A_14, %max3A_15 : vector<512x1024xf32>
    %convert_element_type3A_17 = arith.truncf %max3A_16 : vector<512x1024xf32> to vector<512x1024xbf16>
    %get3A_18 = arith.constant 0 : index
    %get3A_19 = arith.constant 0 : index
    %get3A_20 = vector.load %arg4[%get3A_18, %get3A_19] : memref<1024x512xbf16, #tpu.memory_space<vmem>>, vector<1024x512xbf16>
    %dot_general3A_21 = arith.constant dense<0.000000e+00> : vector<512x512xf32>
    %dot_general3A_22 = tpu.matmul %convert_element_type3A_17, %get3A_20, %dot_general3A_21 {dimension_numbers = #tpu.dot_dimension_numbers<[1], [0], [0], [1], [0, 0, 1, 1], [], []>, transpose_lhs_hint = false} : vector<512x1024xbf16>, vector<1024x512xbf16>, vector<512x512xf32> -> vector<512x512xf32>
    %get3A_23 = arith.constant 0 : index
    %get3A_24 = arith.constant 0 : index
    %get3A_25 = vector.load %arg5[%get3A_23, %get3A_24] : memref<1x512xf32, #tpu.memory_space<vmem>>, vector<1x512xf32>
    %add3A_26 = vector.broadcast %get3A_25 : vector<1x512xf32> to vector<512x512xf32>
    %add3A_27 = arith.addf %dot_general3A_22, %add3A_26 : vector<512x512xf32>
    %swap3A = arith.constant 0 : index
    %swap3A_28 = arith.constant 0 : index
    %swap3A_29 = vector.load %arg6[%swap3A, %swap3A_28] : memref<512x512xf32, #tpu.memory_space<vmem>>, vector<512x512xf32>
    tpu.vector_store %arg6[%swap3A, %swap3A_28], %add3A_27 {strides = array<i32>} : memref<512x512xf32, #tpu.memory_space<vmem>>, vector<512x512xf32>,
    return
  }
  func.func @transform_0(%arg0: i32) -> i32 {
    %c0_i32 = arith.constant 0 : i32
    return %arg0 : i32
  }
  func.func @transform_1(%arg0: i32) -> i32 {
    %c0_i32 = arith.constant 0 : i32
    return %arg0 : i32
  }
  func.func @transform_2(%arg0: i32) -> (i32, i32) {
    %c0_i32 = arith.constant 0 : i32
    %c0_i32_0 = arith.constant 0 : i32
    %c0_i32_1 = arith.constant 0 : i32
    return %c0_i32, %c0_i32_0 : i32, i32
  }
  func.func @transform_3(%arg0: i32) -> (i32, i32) {
    %c0_i32 = arith.constant 0 : i32
    %c0_i32_0 = arith.constant 0 : i32
    %c0_i32_1 = arith.constant 0 : i32
    return %c0_i32, %c0_i32_0 : i32, i32
  }
  func.func @transform_4(%arg0: i32) -> (i32, i32) {
    %c0_i32 = arith.constant 0 : i32
    %c0_i32_0 = arith.constant 0 : i32
    %c0_i32_1 = arith.constant 0 : i32
    return %c0_i32, %c0_i32_0 : i32, i32
  }
  func.func @transform_5(%arg0: i32) -> (i32, i32) {
    %c0_i32 = arith.constant 0 : i32
    %c0_i32_0 = arith.constant 0 : i32
    return %arg0, %c0_i32 : i32, i32
  }
}

module attributes {stable_mosaic.version = 14 : i64} {
  func.func @_consume_body(%arg0: i32, %arg1: memref<512x512xi32, #tpu.memory_space<vmem>>, %arg2: memref<512x512xi32, #tpu.memory_space<vmem>>, %arg3: memref<1024x512xbf16, #tpu.memory_space<vmem>>, %arg4: memref<1x512xf32, #tpu.memory_space<vmem>>, %arg5: memref<512x512xf32, #tpu.memory_space<vmem>>) attributes {dimension_semantics = [#tpu.dimension_semantics<arbitrary>], iteration_bounds = array<i64: 14>, scalar_prefetch = 0 : i64, scratch_operands = 0 : i64, tpu.core_type = #tpu.core_type<tc>, window_params = [{transform_indices = @transform_0, window_bounds = array<i64: 512, 512>}, {transform_indices = @transform_1, window_bounds = array<i64: 512, 512>}, {pipeline_mode = #tpu.pipeline_mode<synchronous>, transform_indices = @transform_2, window_bounds = array<i64: 1024, 512>}, {pipeline_mode = #tpu.pipeline_mode<synchronous>, transform_indices = @transform_3, window_bounds = array<i64: 1, 512>}, {transform_indices = @transform_4, window_bounds = array<i64: 512, 512>}]} {
    %get3A = arith.constant 0 : index
    %get3A_0 = arith.constant 0 : index
    %get3A_1 = vector.load %arg1[%get3A, %get3A_0] : memref<512x512xi32, #tpu.memory_space<vmem>>, vector<512x512xi32>
    %get3A_2 = arith.constant 0 : index
    %get3A_3 = arith.constant 0 : index
    %get3A_4 = vector.load %arg2[%get3A_2, %get3A_3] : memref<512x512xi32, #tpu.memory_space<vmem>>, vector<512x512xi32>
    %shift_left3A = arith.constant 16 : i32
    %shift_left3A_5 = vector.broadcast %shift_left3A : i32 to vector<512x512xi32>
    %shift_left3A_6 = arith.shli %get3A_1, %shift_left3A_5 : vector<512x512xi32>
    %bitcast_convert_type3A = tpu.bitcast %shift_left3A_6 : vector<512x512xi32> -> vector<512x512xf32>
    %shift_left3A_7 = arith.constant 16 : i32
    %shift_left3A_8 = vector.broadcast %shift_left3A_7 : i32 to vector<512x512xi32>
    %shift_left3A_9 = arith.shli %get3A_4, %shift_left3A_8 : vector<512x512xi32>
    %bitcast_convert_type3A_10 = tpu.bitcast %shift_left3A_9 : vector<512x512xi32> -> vector<512x512xf32>
    %add3A = arith.addf %bitcast_convert_type3A, %bitcast_convert_type3A_10 : vector<512x512xf32>
    %and3A = arith.constant -65536 : i32
    %and3A_11 = vector.broadcast %and3A : i32 to vector<512x512xi32>
    %and3A_12 = arith.andi %get3A_1, %and3A_11 : vector<512x512xi32>
    %bitcast_convert_type3A_13 = tpu.bitcast %and3A_12 : vector<512x512xi32> -> vector<512x512xf32>
    %and3A_14 = arith.constant -65536 : i32
    %and3A_15 = vector.broadcast %and3A_14 : i32 to vector<512x512xi32>
    %and3A_16 = arith.andi %get3A_4, %and3A_15 : vector<512x512xi32>
    %bitcast_convert_type3A_17 = tpu.bitcast %and3A_16 : vector<512x512xi32> -> vector<512x512xf32>
    %add3A_18 = arith.addf %bitcast_convert_type3A_13, %bitcast_convert_type3A_17 : vector<512x512xf32>
    %max3A = arith.constant 0.000000e+00 : f32
    %max3A_19 = vector.broadcast %max3A : f32 to vector<512x512xf32>
    %max3A_20 = arith.maximumf %add3A, %max3A_19 : vector<512x512xf32>
    %convert_element_type3A = arith.truncf %max3A_20 : vector<512x512xf32> to vector<512x512xbf16>
    %max3A_21 = arith.constant 0.000000e+00 : f32
    %max3A_22 = vector.broadcast %max3A_21 : f32 to vector<512x512xf32>
    %max3A_23 = arith.maximumf %add3A_18, %max3A_22 : vector<512x512xf32>
    %convert_element_type3A_24 = arith.truncf %max3A_23 : vector<512x512xf32> to vector<512x512xbf16>
    %concatenate3A = tpu.concatenate %convert_element_type3A, %convert_element_type3A_24 in 1 : vector<512x512xbf16>, vector<512x512xbf16> -> vector<512x1024xbf16>
    %get3A_25 = arith.constant 0 : index
    %get3A_26 = arith.constant 0 : index
    %get3A_27 = vector.load %arg3[%get3A_25, %get3A_26] : memref<1024x512xbf16, #tpu.memory_space<vmem>>, vector<1024x512xbf16>
    %dot_general3A = arith.constant dense<0.000000e+00> : vector<512x512xf32>
    %dot_general3A_28 = tpu.matmul %concatenate3A, %get3A_27, %dot_general3A {dimension_numbers = #tpu.dot_dimension_numbers<[1], [0], [0], [1], [0, 0, 1, 1], [], []>, transpose_lhs_hint = false} : vector<512x1024xbf16>, vector<1024x512xbf16>, vector<512x512xf32> -> vector<512x512xf32>
    %get3A_29 = arith.constant 0 : index
    %get3A_30 = arith.constant 0 : index
    %get3A_31 = vector.load %arg4[%get3A_29, %get3A_30] : memref<1x512xf32, #tpu.memory_space<vmem>>, vector<1x512xf32>
    %add3A_32 = vector.broadcast %get3A_31 : vector<1x512xf32> to vector<512x512xf32>
    %add3A_33 = arith.addf %dot_general3A_28, %add3A_32 : vector<512x512xf32>
    %swap3A = arith.constant 0 : index
    %swap3A_34 = arith.constant 0 : index
    %swap3A_35 = vector.load %arg5[%swap3A, %swap3A_34] : memref<512x512xf32, #tpu.memory_space<vmem>>, vector<512x512xf32>
    tpu.vector_store %arg5[%swap3A, %swap3A_34], %add3A_33 {strides = array<i32>} : memref<512x512xf32, #tpu.memory_space<vmem>>, vector<512x512xf32>,
    return
  }
  func.func @transform_0(%arg0: i32) -> (i32, i32) {
    %c0_i32 = arith.constant 0 : i32
    %c0_i32_0 = arith.constant 0 : i32
    return %arg0, %c0_i32 : i32, i32
  }
  func.func @transform_1(%arg0: i32) -> (i32, i32) {
    %c0_i32 = arith.constant 0 : i32
    %c0_i32_0 = arith.constant 0 : i32
    return %arg0, %c0_i32 : i32, i32
  }
  func.func @transform_2(%arg0: i32) -> (i32, i32) {
    %c0_i32 = arith.constant 0 : i32
    %c0_i32_0 = arith.constant 0 : i32
    %c0_i32_1 = arith.constant 0 : i32
    return %c0_i32, %c0_i32_0 : i32, i32
  }
  func.func @transform_3(%arg0: i32) -> (i32, i32) {
    %c0_i32 = arith.constant 0 : i32
    %c0_i32_0 = arith.constant 0 : i32
    %c0_i32_1 = arith.constant 0 : i32
    return %c0_i32, %c0_i32_0 : i32, i32
  }
  func.func @transform_4(%arg0: i32) -> (i32, i32) {
    %c0_i32 = arith.constant 0 : i32
    %c0_i32_0 = arith.constant 0 : i32
    return %arg0, %c0_i32 : i32, i32
  }
}

</mosaic_0001>

<sc_bundles>
// kernel: kernel.6.cloned.1.call-start
scs
__scs_entry_jumppad:
0x0: {  	(pc) =	sbr.rel $0x88, $3  }
0x1: {  	(tag) =	ssettag $0x0;
	lr =	simm.s32 $0x1  }
0x2: {  	[smem:$0x3F9A] =	sst lr;
	_ =	strace $0xD0000000  }
0x3: {  	_ = 	snop  }
0x4: {  	_ = 	snop  }
0x5: {  	_ = 	snop  }
0x6: {  	_ = 	snop  }
0x7: {  	_ = 	snop  }
__scs_overlays_trampoline_lowered:
0x8: {  	[smem:$0x3FA9] =	sst s0  }
0x9: {  	[smem:$0x3FAA] =	sst s1  }
0xa: {  	[smem:$0x3FAB] =	sst s2  }
0xb: {  	[smem:$0x3FAC] =	sst s3  }
0xc: {  	[smem:$0x3FAD] =	sst s4  }
0xd: {  	[smem:$0x3FAE] =	sst s5  }
0xe: {  	[smem:$0x3FAF] =	sst s6  }
0xf: {  	[smem:$0x3FB0] =	sst s7  }
0x10: {  	[smem:$0x3FB1] =	sst s8  }
0x11: {  	[smem:$0x3FB2] =	sst s9;
	s0 =	simm.s32 @!p0 $0x0  }
0x12: {  	s1 =	sld [smem:$0x3F98];
	s0 =	simm.s32 @p0 $0x1  }
0x13: {  	[smem:$0x3FB3] =	sst s0;
	s0 =	simm.s32 @!p1 $0x0  }
0x14: {  	s2 =	sld [smem:$0x3F97];
	s0 =	simm.s32 @p1 $0x1  }
0x15: {  	[smem:$0x3FB4] =	sst s0;
	s0 =	simm.s32 @!p2 $0x0  }
0x16: {  	s3 =	sld [smem:$0x3FDB];
	s0 =	simm.s32 @p2 $0x1  }
0x17: {  	s4 =	simm.s32 $0x1BF5;
	[smem:$0x3FB6] =	sst s0  }
0x18: {  	s0 =	sld [smem:$0x3F99];
	_ =	swait.ge [sflag:s4], $0x0  }
0x19: {  	s7 =	sld [smem:$0x3F9A]  }
0x1a: {  	s8 =	sadd.s32 $0xFFFFE003, lr  }
0x1b: {  	s9 =	sadd.s32 $0xFFFFFEF7, lr;
	s5 =	simm.s32 $0xFFFFFFFF;
	p2 =	slt.u32 s8, $0xFFFFF086  }
0x1c: {  	p1 =	slt.u32 s9, $0xF7A;
	s5 =	simm.s32 @!p2 $0x0  }
0x1d: {  	s5 =	simm.s32 @p1 $0x1;
	p0 =	seq.s32 s7, s2  }
0x1e: {  	s7 =	smul.u32 @!p0 $0xF7A, s2;
	p2 =	seq.s32 @!p0 s5, $0x0  }
0x1f: {  	s9 =	smul.u32 $0xF7A, s1;
	s8 =	simm.s32 @!p0 $0x1BF5;
	p2 =	por !p2, p0  }
0x20: {  	[sflag:s8] =	ssyncset.s32 @!p0 $0xFFFFF086;
	s6 =	sadd.s32 @!p0 s3, s7;
	s7 =	simm.s32 @!p0 $0x108  }
0x21: {  	s3 =	sadd.s32 s3, s9;
	s6 =	sadd.s32 @!p0 $0x88, s6;
	s7 =	simm.s32 @p2 $0x1082  }
0x22: {  	[simem:s7], [sflag:s8] =	dma.local @!p0 [hbm:s6], $0xF7A  }
0x23: {  	s9 =	sor.u32 $0xD0000000, s2;
	s6 =	simm.s32 $0x108;
	_ =	swait.ge @!p0 [sflag:s8], $0x0  }
0x24: {  	s3 =	sadd.s32 $0x88, s3;
	s6 =	simm.s32 @!p1 $0x1082;
	[sflag:s4] =	ssyncset.s32 $0xFFFFF086  }
0x25: {  	[simem:s6], [sflag:s4] =	dma.local [hbm:s3], $0xF7A  }
0x26: {  	[smem:$0x3F9A] =	sst s1;
	(tag) =	ssettag s2;
	_ =	strace s9  }
0x27: {  	s1 =	sld [smem:$0x3FAA]  }
0x28: {  	s2 =	sld [smem:$0x3FAB]  }
0x29: {  	s4 =	sld [smem:$0x3FAD]  }
0x2a: {  	p0 =	seq.s32 s5, $0x0;
	s5 =	sld [smem:$0x3FAE]  }
0x2b: {  	s6 =	sld [smem:$0x3FAF]  }
0x2c: {  	s7 =	sld [smem:$0x3FB0]  }
0x2d: {  	s3 =	simm.s32 $0x108;
	s8 =	sld [smem:$0x3FB1]  }
0x2e: {  	s3 =	simm.s32 @!p0 $0x1082;
	s9 =	sld [smem:$0x3FB2]  }
0x2f: {  	lr =	sadd.s32 s0, s3;
	s0 =	sld [smem:$0x3FA9]  }
0x30: {  	s3 =	sld [smem:$0x3FAC]  }
0x31: {  	[smem:$0x3FB5] =	sst s10  }
0x32: {  	s10 =	sld [smem:$0x3FB3];
	_ =	sdelay $0x3  }
0x33: {  	p0 =	seq.s32 s10, $0x1;
	s10 =	sld [smem:$0x3FB5];
	_ =	sdelay $0x3  }
0x34: {  	[smem:$0x3FB5] =	sst s10  }
0x35: {  	s10 =	sld [smem:$0x3FB4];
	_ =	sdelay $0x3  }
0x36: {  	p1 =	seq.s32 s10, $0x1;
	s10 =	sld [smem:$0x3FB5];
	_ =	sdelay $0x3  }
0x37: {  	[smem:$0x3FB5] =	sst s10  }
0x38: {  	s10 =	sld [smem:$0x3FB6]  }
0x39: {  	_ = 	snop;
	(pc) =	sbr.ind lr, $3  }
0x3a: {  	_ = 	snop  }
0x3b: {  	_ = 	snop  }
0x3c: {  	p2 =	seq.s32 s10, $0x1;
	s10 =	sld [smem:$0x3FB5]  }
0x3d: {  	_ =	shalt  }
0x3e: {  	_ =	shalt  }
0x3f: {  	_ =	shalt  }
0x40: {  	_ =	shalt  }
0x41: {  	_ =	shalt  }
0x42: {  	_ =	shalt  }
0x43: {  	_ =	shalt  }
0x44: {  	_ =	shalt  }
0x45: {  	_ =	shalt  }
0x46: {  	_ =	shalt  }
0x47: {  	_ =	shalt  }
0x48: {  	_ =	shalt  }
0x49: {  	_ =	shalt  }
0x4a: {  	_ =	shalt  }
0x4b: {  	_ =	shalt  }
0x4c: {  	_ =	shalt  }
0x4d: {  	_ =	shalt  }
0x4e: {  	_ =	shalt  }
0x4f: {  	_ =	shalt  }
0x50: {  	_ =	shalt  }
0x51: {  	_ =	shalt  }
0x52: {  	_ =	shalt  }
0x53: {  	_ =	shalt  }
0x54: {  	_ =	shalt  }
0x55: {  	_ =	shalt  }
0x56: {  	_ =	shalt  }
0x57: {  	_ =	shalt  }
0x58: {  	_ =	shalt  }
0x59: {  	_ =	shalt  }
0x5a: {  	_ =	shalt  }
0x5b: {  	_ =	shalt  }
0x5c: {  	_ =	shalt  }
0x5d: {  	_ =	shalt  }
0x5e: {  	_ =	shalt  }
0x5f: {  	_ =	shalt  }
0x60: {  	_ =	shalt  }
0x61: {  	_ =	shalt  }
0x62: {  	_ =	shalt  }
0x63: {  	_ =	shalt  }
0x64: {  	_ =	shalt  }
0x65: {  	_ =	shalt  }
0x66: {  	_ =	shalt  }
0x67: {  	_ =	shalt  }
0x68: {  	_ =	shalt  }
0x69: {  	_ =	shalt  }
0x6a: {  	_ =	shalt  }
0x6b: {  	_ =	shalt  }
0x6c: {  	_ =	shalt  }
0x6d: {  	_ =	shalt  }
0x6e: {  	_ =	shalt  }
0x6f: {  	_ =	shalt  }
0x70: {  	_ =	shalt  }
0x71: {  	_ =	shalt  }
0x72: {  	_ =	shalt  }
0x73: {  	_ =	shalt  }
0x74: {  	_ =	shalt  }
0x75: {  	_ =	shalt  }
0x76: {  	_ =	shalt  }
0x77: {  	_ =	shalt  }
0x78: {  	_ =	shalt  }
0x79: {  	_ =	shalt  }
0x7a: {  	_ =	shalt  }
0x7b: {  	_ =	shalt  }
0x7c: {  	_ =	shalt  }
0x7d: {  	_ =	shalt  }
0x7e: {  	_ =	shalt  }
0x7f: {  	_ =	shalt  }
0x80: {  	_ =	shalt  }
0x81: {  	_ =	shalt  }
0x82: {  	_ =	shalt  }
0x83: {  	_ =	shalt  }
0x84: {  	_ =	shalt  }
0x85: {  	_ =	shalt  }
0x86: {  	_ =	shalt  }
0x87: {  	_ =	shalt  }
.Lfunc_end0:
.L_simem_size_0:
called_computation_lowered:
.L_overlay_start_0:
0x88: {  	s2 =	sld [smem:$0x3FD9]  }
0x89: {  	s3 =	sld [smem:$0x3FFE];
	_ =	sdelay $0x1  }
0x8a: {  	s1 =	srdreg.scid  }
0x8b: {  	s0 =	sand.u32 $0x1, s1  }
0x8c: {  	s17 =	sshll.u32 s0, $0xA;
	s2 =	sadd.s32 s3, s2  }
0x8d: {  	s2 =	sadd.s32 s2, s17  }
0x8e: {  	[smem:$0x3FC1] =	sst s2  }
0x8f: {  	_ = 	snop  }
0x90: {  	s2 =	sld [smem:$0x3FD0];
	(tm) =	ssettm $0x1  }
0x91: {  	s18 =	sld [smem:$0x3FFB];
	_ =	sdelay $0x3  }
0x92: {  	_ =	strace s18  }
0x93: {  	s3 =	sld [smem:$0x3FFC];
	_ =	sdelay $0x3  }
0x94: {  	_ =	strace s3  }
0x95: {  	s3 =	sld [smem:$0x3FFD];
	_ =	sdelay $0x3  }
0x96: {  	_ =	strace s3  }
0x97: {  	_ =	strace $0x8FFFFFFF  }
0x98: {  	s19 =	sld [smem:$0x3FDB];
	_ =	sdelay $0x1  }
0x99: {  	s4 =	simm.s32 $_scs_section_size  }
0x9a: {  	s5 =	simm.s32 $_size__tile_overlayer_lowered;
	s6 =	simm.s32 $_tile_overlayer_lowered  }
0x9b: {  	s22 =	simm.s32 $0x1BFF;
	s21 =	sshll.u32 s6, $0x1;
	s3 =	sadd.s32 s4, s19  }
0x9c: {  	s7 =	simm.s32 $0x0;
	s20 =	sshll.u32 s5, $0x1;
	s5 =	sadd.s32 s21, s3  }
0x9d: {  	[timem:s7], [sflag:s22] =	dma.local [hbm:s5], s20  }
0x9e: {  	_ =	swait.ge [sflag:s22], s20  }
0x9f: {  	s4 =	ssub.s32 $0x0, s20;
	[sflag:s22] =	ssyncset.done $0x0  }
0xa0: {  	[sflag:s22] =	ssyncadd.s32 s4;
	_ =	sdelay $0x1  }
0xa1: {  	s23 =	simm.s32 $0x1B8B  }
0xa2: {  	_ =	swait.ge [sflag:s23], $0x1  }
0xa3: {  	[sflag:s23] =	ssyncset.done $0x0  }
0xa4: {  	s25 =	simm.s32 $0x1B8E;
	s24 =	sld [smem:$0x3FFE];
	[sflag:s23] =	ssyncadd.s32 $0xFFFFFFFF  }
0xa5: {  	s26 =	simm.s32 $execute0_lowered;
	[smem:$0x3FD2] =	sst s25  }
0xa6: {  	s5 =	sshll.u32 s26, $0x1;
	_ =	strace $0x80000046;
	[dreg:$0x1] =	wrdreg $0xFFFFFFFF  }
0xa7: {  	s28 =	simm.s32 $_size_execute0_lowered;
	s3 =	sadd.s32 s3, s5;
	[dreg:$0x0] =	wrdreg $0x0  }
0xa8: {  	s5 =	sshll.u32 s28, $0x1;
	[dreg:$0x2] =	wrdreg s3  }
0xa9: {  	[dreg:$0x3] =	wrdreg s5  }
0xaa: {  	[dreg:$0x4] =	wrdreg $0xC0  }
0xab: {  	_ =	task [dreg:s7], $0x5FFFF  }
0xac: {  	[dreg:$0x1] =	wrdreg $0xFFFFFFFF  }
0xad: {  	[dreg:$0x0] =	wrdreg $0x60  }
0xae: {  	[dreg:$0x2] =	wrdreg s24  }
0xaf: {  	[dreg:$0x3] =	wrdreg s2  }
0xb0: {  	[dreg:$0x4] =	wrdreg $0x9  }
0xb1: {  	_ =	task.clear_ibuf [dreg:s7], $0x5FFFF;
	_ =	strace $0x90000046  }
0xb2: {  	s29 =	simm.s32 $0x9;
	_ =	strace $0x80000048  }
0xb3: {  	_ =	swait.ge [sflag:s29], $0x1  }
0xb4: {  	[sflag:s29] =	ssyncadd.s32 $0xFFFFFFFF  }
0xb5: {  	_ =	strace $0x90000048  }
0xb6: {  	_ =	sfence  }
0xb7: {  	s30 =	sld [smem:$0x0];
	_ =	sdelay $0x2  }
0xb8: {  	s31 =	sshll.u32 s1, $0xD;
	s1 =	sshrl.u32 s1, $0x2  }
0xb9: {  	s3 =	sand.u32 $0x4000, s31;
	s1 =	sadd.s32 s1, s30  }
0xba: {  	s0 =	sor.u32 s3, s0;
	s1 =	sshll.u32 s1, $0x11  }
0xbb: {  	s0 =	sor.u32 s1, s0  }
0xbc: {  	s0 =	sadd.s32 $0x8F2B, s0  }
0xbd: {  	[sflag:s0] =	ssyncadd.remote.s32 $0x1  }
0xbe: {  	_ =	sfence.sel $0xFFFF  }
0xbf: {  	[dreg:$0x0] =	wrdreg $0xFFFFFFFF;
	(pc) =	sbr.abs _section_cstart, $3  }
0xc0: {  	[dreg:$0x1] =	wrdreg $0xFFFFFFFF  }
0xc1: {  	_ =	task.clear_ibuf [dreg:s7], $0x2FFFF;
	_ =	strace $0x9FFFFFFF  }
0xc2: {  	(tm) =	ssettm $0x7FFFFFFF  }
0xc3: {  	_ =	shalt  }
tec
execute0_lowered:
.L_overlay_start_1:
0x0: {  	(tag) =	ssettag $0x1  }
0x1: {  	s0 =	srdreg.scid;
	s2 =	stileid.u32  }
0x2: {  	s1 =	sand.u32 $0x1, s0;
	s11 =	sshll.u32 s2, $0x1  }
0x3: {  	s3 =	sor.u32 s1, s11  }
0x4: {  	s4 =	rddreg [dreg:$0x1];
	s5 =	smul.u32 $0xE0, s3  }
0x5: {  	s0 =	rddreg [dreg:$0x0];
	s2 =	simm.s32 $0x0;
	s11 =	smul.u32 $0x3800, s3  }
0x6: {  	[smem:$0x7FF] =	sst s2;
	s7 =	sadd.s32 $0x1600, s0;
	s6 =	sshrl.u32 s5, $0x3  }
0x7: {  	s8 =	sadd.s32 $0x1E00, s0;
	s13 =	sadd.s32 s4, s11;
	s5 =	sadd.s32 $0x480, s6  }
0x8: {  	_ =	strace $0x80000047;
	[dreg:$0x7] =	wrdreg s13;
	s9 =	sadd.s32 s7, s5  }
0x9: {  	s12 =	sadd.s32 $0x484, s6;
	s5 =	sadd.s32 s8, s5;
	[dreg:$0x3] =	wrdreg s9  }
0xa: {  	s15 =	sadd.s32 $0x488, s6;
	s10 =	sadd.s32 s7, s12;
	[dreg:$0x4] =	wrdreg s5  }
0xb: {  	s16 =	sadd.s32 s7, s15;
	[dreg:$0x5] =	wrdreg s10  }
0xc: {  	s21 =	sadd.s32 $0x48C, s6;
	s17 =	sadd.s32 s8, s15;
	[dreg:$0x9] =	wrdreg s16  }
0xd: {  	s22 =	sadd.s32 s7, s21;
	[dreg:$0xa] =	wrdreg s17  }
0xe: {  	s28 =	simm.s32 $0x1;
	s23 =	sadd.s32 s8, s21;
	[dreg:$0xd] =	wrdreg s22  }
0xf: {  	s30 =	sadd.s32 $0x490, s6;
	s9 =	sadd.s32 s8, s12;
	[dreg:$0xe] =	wrdreg s23  }
0x10: {  	s3 =	smul.u32 $0x1C000, s3;
	s10 =	sadd.s32 s7, s30;
	[dreg:$0x6] =	wrdreg s9  }
0x11: {  	s5 =	sadd.s32 $0xA600, s0;
	s12 =	sadd.s32 s8, s30;
	[dreg:$0x11] =	wrdreg s10  }
0x12: {  	s16 =	sadd.s32 $0x494, s6;
	s14 =	sadd.s32 s5, s11;
	[dreg:$0x12] =	wrdreg s12  }
0x13: {  	s6 =	sadd.s32 $0x498, s6;
	s17 =	sadd.s32 s7, s16;
	[dreg:$0x8] =	wrdreg s14  }
0x14: {  	s11 =	sshrl.u32 s3, $0x3;
	s22 =	sadd.s32 s7, s6;
	[dreg:$0x15] =	wrdreg s17  }
0x15: {  	s6 =	sadd.s32 s8, s6;
	s18 =	sadd.s32 $0x800, s11;
	[dreg:$0x19] =	wrdreg s22  }
0x16: {  	s29 =	simm.s32 $0x4100;
	[dreg:$0x1a] =	wrdreg s6;
	s19 =	sadd.s32 s4, s18  }
0x17: {  	s24 =	sadd.s32 $0x1000, s11;
	s20 =	sadd.s32 s5, s18;
	[dreg:$0xb] =	wrdreg s19  }
0x18: {  	s31 =	simm.s32 $0x20;
	s25 =	sadd.s32 s4, s24;
	[dreg:$0xc] =	wrdreg s20  }
0x19: {  	s13 =	sadd.s32 $0x1800, s11;
	s26 =	sadd.s32 s5, s24;
	[dreg:$0xf] =	wrdreg s25  }
0x1a: {  	s1 =	ssub.s32 $0x2, s1;
	s14 =	sadd.s32 s4, s13;
	[dreg:$0x10] =	wrdreg s26  }
0x1b: {  	s30 =	sshrl.u32 s1, $0x1;
	s15 =	sadd.s32 s5, s13;
	[dreg:$0x13] =	wrdreg s14  }
0x1c: {  	s23 =	sadd.s32 $0x2800, s11;
	s18 =	sadd.s32 s8, s16;
	[dreg:$0x14] =	wrdreg s15  }
0x1d: {  	s3 =	sadd.s32 $0x2600, s0;
	s24 =	sadd.s32 s4, s23;
	[dreg:$0x16] =	wrdreg s18  }
0x1e: {  	s19 =	sadd.s32 $0x2000, s11;
	[dreg:$0x1b] =	wrdreg s24;
	s25 =	sadd.s32 s5, s23  }
0x1f: {  	s1 =	ssub.s32 s1, s30;
	s20 =	sadd.s32 s4, s19;
	[dreg:$0x1c] =	wrdreg s25  }
0x20: {  	s26 =	sadd.s32 $0x3000, s11;
	s21 =	sadd.s32 s5, s19;
	[dreg:$0x17] =	wrdreg s20  }
0x21: {  	v2 =	vlaneseq.u32;
	s6 =	simm.s32 $0x3;
	s4 =	sadd.s32 s4, s26;
	[dreg:$0x18] =	wrdreg s21  }
0x22: {  	vm0 =	vmmov $0xffff;
	v1 =	vshrl.u32 v2, $0x3;
	s16 =	simm.s32 $0x100;
	s5 =	sadd.s32 s5, s26;
	[dreg:$0x1d] =	wrdreg s4  }
0x23: {  	v0 =	vand.u32 $0x7, v2;
	v2 =	vor.u32 $0x8, v2;
	v1 =	vmul.u32 $0x8, v1;
	s4 =	sadd.s32 $0x2700, s0;
	[dreg:$0x1e] =	wrdreg s5;
	s5 =	smax.u32 s1, $0x1  }
.LBB2_1:
0x24: {  	s30 =	rddreg [dreg:$0x3]  }
0x25: {  	[tilespmem:s2], [sflag:$0x3] =	stream.linear.gather [hbm4b:s30+s2], $0x20, $0x38;
	[tilespmem:$0x10100] =	vst v63  }
0x26: {  	_ =	swait.ge [sflag:s6], $0x20  }
0x27: {  	[sflag:s6] =	ssyncset.done $0x0  }
0x28: {  	s0 =	simm.s32 $0x20;
	s7 =	rddreg [dreg:$0x4];
	[sflag:s6] =	ssyncadd.s32 $0xFFFFFFE0  }
0x29: {  	[tilespmem:s0], [sflag:$0x3] =	stream.linear.gather [hbm4b:s7+s2], $0x20, $0x38;
	[tilespmem:$0x10100] =	vst v63  }
0x2a: {  	_ =	swait.ge [sflag:s6], $0x20  }
0x2b: {  	[sflag:s6] =	ssyncset.done $0x0  }
0x2c: {  	[sflag:s6] =	ssyncadd.s32 $0xFFFFFFE0  }
0x2d: {  	v3 =	vld [tilespmem:$0x0];
	_ =	sdelay $0x4  }
0x2e: {  	v4 =	vshll.u32 v3, $0x2  }
0x2f: {  	v3 =	vand.u32 $0x7, v3;
	v4 =	vand.u32 $0xFFFFFFE0, v4  }
0x30: {  	v3 =	vor.u32 v3, v4  }
0x31: {  	v4 =	vperm.xlane v3, v0;
	_ =	sdelay $0x1  }
0x32: {  	v4 =	vadd.s32 v1, v4;
	_ =	sdelay $0x1  }
0x33: {  	v3 =	vperm.xlane v3, v2;
	_ =	sdelay $0x1  }
0x34: {  	v3 =	vadd.s32 v1, v3  }
0x35: {  	[tilespmem:s16], [sflag:$0x1] =	stream.indirect_vreg.gather [hbm4b:s3+s2], $0x80, v4, vm0, $0xb8;
	[tilespmem:$0x10100] =	vst v63  }
0x36: {  	s8 =	simm.s32 $0x900  }
0x37: {  	[tilespmem:s8], [sflag:$0x1] =	stream.indirect_vreg.gather [hbm4b:s4+s2], $0x80, v4, vm0, $0xb8;
	[tilespmem:$0x10100] =	vst v63  }
0x38: {  	s9 =	simm.s32 $0x1100  }
0x39: {  	[tilespmem:s9], [sflag:$0x1] =	stream.indirect_vreg.gather [hbm4b:s3+s2], $0x80, v3, vm0, $0xb8;
	[tilespmem:$0x10100] =	vst v63  }
0x3a: {  	s10 =	simm.s32 $0x1900  }
0x3b: {  	[tilespmem:s10], [sflag:$0x1] =	stream.indirect_vreg.gather [hbm4b:s4+s2], $0x80, v3, vm0, $0xb8;
	[tilespmem:$0x10100] =	vst v63  }
0x3c: {  	v3 =	vld [tilespmem:$0x10];
	_ =	sdelay $0x4  }
0x3d: {  	v37 =	vshll.u32 v3, $0x2  }
0x3e: {  	v3 =	vand.u32 $0x7, v3;
	v4 =	vand.u32 $0xFFFFFFE0, v37  }
0x3f: {  	v3 =	vor.u32 v3, v4  }
0x40: {  	v4 =	vperm.xlane v3, v0;
	_ =	sdelay $0x1  }
0x41: {  	v4 =	vadd.s32 v1, v4;
	_ =	sdelay $0x1  }
0x42: {  	v3 =	vperm.xlane v3, v2;
	_ =	sdelay $0x1  }
0x43: {  	s11 =	simm.s32 $0x2100;
	v3 =	vadd.s32 v1, v3  }
0x44: {  	[tilespmem:s11], [sflag:$0x1] =	stream.indirect_vreg.gather [hbm4b:s3+s2], $0x80, v4, vm0, $0xb8;
	[tilespmem:$0x10100] =	vst v63  }
0x45: {  	s12 =	simm.s32 $0x2900  }
0x46: {  	[tilespmem:s12], [sflag:$0x1] =	stream.indirect_vreg.gather [hbm4b:s4+s2], $0x80, v4, vm0, $0xb8;
	[tilespmem:$0x10100] =	vst v63  }
0x47: {  	s13 =	simm.s32 $0x3100  }
0x48: {  	[tilespmem:s13], [sflag:$0x1] =	stream.indirect_vreg.gather [hbm4b:s3+s2], $0x80, v3, vm0, $0xb8;
	[tilespmem:$0x10100] =	vst v63  }
0x49: {  	s14 =	simm.s32 $0x3900  }
0x4a: {  	[tilespmem:s14], [sflag:$0x1] =	stream.indirect_vreg.gather [hbm4b:s4+s2], $0x80, v3, vm0, $0xb8;
	[tilespmem:$0x10100] =	vst v63  }
0x4b: {  	v3 =	vld [tilespmem:$0x20];
	_ =	sdelay $0x4  }
0x4c: {  	v38 =	vshll.u32 v3, $0x2  }
0x4d: {  	v3 =	vand.u32 $0x7, v3;
	v4 =	vand.u32 $0xFFFFFFE0, v38  }
0x4e: {  	v3 =	vor.u32 v3, v4  }
0x4f: {  	v4 =	vperm.xlane v3, v0;
	_ =	sdelay $0x1  }
0x50: {  	v4 =	vadd.s32 v1, v4;
	_ =	sdelay $0x1  }
0x51: {  	v3 =	vperm.xlane v3, v2;
	_ =	sdelay $0x1  }
0x52: {  	v3 =	vadd.s32 v1, v3  }
0x53: {  	[tilespmem:s29], [sflag:$0x1] =	stream.indirect_vreg.gather [hbm4b:s3+s2], $0x80, v4, vm0, $0xb8;
	[tilespmem:$0x10100] =	vst v63  }
0x54: {  	s15 =	simm.s32 $0x4900  }
0x55: {  	[tilespmem:s15], [sflag:$0x1] =	stream.indirect_vreg.gather [hbm4b:s4+s2], $0x80, v4, vm0, $0xb8;
	[tilespmem:$0x10100] =	vst v63  }
0x56: {  	s17 =	simm.s32 $0x5100  }
0x57: {  	[tilespmem:s17], [sflag:$0x1] =	stream.indirect_vreg.gather [hbm4b:s3+s2], $0x80, v3, vm0, $0xb8;
	[tilespmem:$0x10100] =	vst v63  }
0x58: {  	s18 =	simm.s32 $0x5900  }
0x59: {  	[tilespmem:s18], [sflag:$0x1] =	stream.indirect_vreg.gather [hbm4b:s4+s2], $0x80, v3, vm0, $0xb8;
	[tilespmem:$0x10100] =	vst v63  }
0x5a: {  	v3 =	vld [tilespmem:$0x30];
	_ =	sdelay $0x4  }
0x5b: {  	v39 =	vshll.u32 v3, $0x2  }
0x5c: {  	v3 =	vand.u32 $0x7, v3;
	v4 =	vand.u32 $0xFFFFFFE0, v39  }
0x5d: {  	v3 =	vor.u32 v3, v4  }
0x5e: {  	v4 =	vperm.xlane v3, v0;
	_ =	sdelay $0x1  }
0x5f: {  	v4 =	vadd.s32 v1, v4;
	_ =	sdelay $0x1  }
0x60: {  	v3 =	vperm.xlane v3, v2;
	_ =	sdelay $0x1  }
0x61: {  	s19 =	simm.s32 $0x6100;
	v3 =	vadd.s32 v1, v3  }
0x62: {  	[tilespmem:s19], [sflag:$0x1] =	stream.indirect_vreg.gather [hbm4b:s3+s2], $0x80, v4, vm0, $0xb8;
	[tilespmem:$0x10100] =	vst v63  }
0x63: {  	s20 =	simm.s32 $0x6900  }
0x64: {  	[tilespmem:s20], [sflag:$0x1] =	stream.indirect_vreg.gather [hbm4b:s4+s2], $0x80, v4, vm0, $0xb8;
	[tilespmem:$0x10100] =	vst v63  }
0x65: {  	s21 =	simm.s32 $0x7100  }
0x66: {  	[tilespmem:s21], [sflag:$0x1] =	stream.indirect_vreg.gather [hbm4b:s3+s2], $0x80, v3, vm0, $0xb8;
	[tilespmem:$0x10100] =	vst v63  }
0x67: {  	s23 =	simm.s32 $0x7900  }
0x68: {  	[tilespmem:s23], [sflag:$0x1] =	stream.indirect_vreg.gather [hbm4b:s4+s2], $0x80, v3, vm0, $0xb8;
	[tilespmem:$0x10100] =	vst v63  }
0x69: {  	s24 =	simm.s32 $0x80;
	s22 =	rddreg [dreg:$0x5]  }
0x6a: {  	[tilespmem:s24], [sflag:$0x3] =	stream.linear.gather [hbm4b:s22+s2], $0x20, $0x38;
	[tilespmem:$0x10100] =	vst v63  }
0x6b: {  	_ =	swait.ge [sflag:s6], $0x20  }
0x6c: {  	[sflag:s6] =	ssyncset.done $0x0  }
0x6d: {  	s26 =	simm.s32 $0xA0;
	s25 =	rddreg [dreg:$0x6];
	[sflag:s6] =	ssyncadd.s32 $0xFFFFFFE0  }
0x6e: {  	[tilespmem:s26], [sflag:$0x3] =	stream.linear.gather [hbm4b:s25+s2], $0x20, $0x38;
	[tilespmem:$0x10100] =	vst v63  }
0x6f: {  	_ =	swait.ge [sflag:s6], $0x20  }
0x70: {  	[sflag:s6] =	ssyncset.done $0x0  }
0x71: {  	[sflag:s6] =	ssyncadd.s32 $0xFFFFFFE0  }
0x72: {  	v3 =	vld [tilespmem:$0x80];
	_ =	sdelay $0x4  }
0x73: {  	v40 =	vshll.u32 v3, $0x2  }
0x74: {  	v3 =	vand.u32 $0x7, v3;
	v4 =	vand.u32 $0xFFFFFFE0, v40  }
0x75: {  	v3 =	vor.u32 v3, v4  }
0x76: {  	v4 =	vperm.xlane v3, v0;
	_ =	sdelay $0x1  }
0x77: {  	v4 =	vadd.s32 v1, v4;
	_ =	sdelay $0x1  }
0x78: {  	v3 =	vperm.xlane v3, v2;
	_ =	sdelay $0x1  }
0x79: {  	s30 =	simm.s32 $0x8100;
	v3 =	vadd.s32 v1, v3  }
0x7a: {  	[tilespmem:s30], [sflag:$0x2] =	stream.indirect_vreg.gather [hbm4b:s3+s2], $0x80, v4, vm0, $0xb8;
	[tilespmem:$0x10100] =	vst v63  }
0x7b: {  	s8 =	simm.s32 $0x8900  }
0x7c: {  	[tilespmem:s8], [sflag:$0x2] =	stream.indirect_vreg.gather [hbm4b:s4+s2], $0x80, v4, vm0, $0xb8;
	[tilespmem:$0x10100] =	vst v63  }
0x7d: {  	s11 =	simm.s32 $0x9100  }
0x7e: {  	[tilespmem:s11], [sflag:$0x2] =	stream.indirect_vreg.gather [hbm4b:s3+s2], $0x80, v3, vm0, $0xb8;
	[tilespmem:$0x10100] =	vst v63  }
0x7f: {  	s12 =	simm.s32 $0x9900  }
0x80: {  	[tilespmem:s12], [sflag:$0x2] =	stream.indirect_vreg.gather [hbm4b:s4+s2], $0x80, v3, vm0, $0xb8;
	[tilespmem:$0x10100] =	vst v63  }
0x81: {  	v3 =	vld [tilespmem:$0x90];
	_ =	sdelay $0x4  }
0x82: {  	v41 =	vshll.u32 v3, $0x2  }
0x83: {  	v3 =	vand.u32 $0x7, v3;
	v4 =	vand.u32 $0xFFFFFFE0, v41  }
0x84: {  	v3 =	vor.u32 v3, v4  }
0x85: {  	v4 =	vperm.xlane v3, v0;
	_ =	sdelay $0x1  }
0x86: {  	v4 =	vadd.s32 v1, v4;
	_ =	sdelay $0x1  }
0x87: {  	v3 =	vperm.xlane v3, v2;
	_ =	sdelay $0x1  }
0x88: {  	s18 =	simm.s32 $0xA100;
	v3 =	vadd.s32 v1, v3  }
0x89: {  	[tilespmem:s18], [sflag:$0x2] =	stream.indirect_vreg.gather [hbm4b:s3+s2], $0x80, v4, vm0, $0xb8;
	[tilespmem:$0x10100] =	vst v63  }
0x8a: {  	s20 =	simm.s32 $0xA900  }
0x8b: {  	[tilespmem:s20], [sflag:$0x2] =	stream.indirect_vreg.gather [hbm4b:s4+s2], $0x80, v4, vm0, $0xb8;
	[tilespmem:$0x10100] =	vst v63  }
0x8c: {  	s21 =	simm.s32 $0xB100  }
0x8d: {  	[tilespmem:s21], [sflag:$0x2] =	stream.indirect_vreg.gather [hbm4b:s3+s2], $0x80, v3, vm0, $0xb8;
	[tilespmem:$0x10100] =	vst v63  }
0x8e: {  	s22 =	simm.s32 $0xB900  }
0x8f: {  	[tilespmem:s22], [sflag:$0x2] =	stream.indirect_vreg.gather [hbm4b:s4+s2], $0x80, v3, vm0, $0xb8;
	[tilespmem:$0x10100] =	vst v63  }
0x90: {  	v3 =	vld [tilespmem:$0xA0];
	_ =	sdelay $0x4  }
0x91: {  	v42 =	vshll.u32 v3, $0x2  }
0x92: {  	v3 =	vand.u32 $0x7, v3;
	v4 =	vand.u32 $0xFFFFFFE0, v42  }
0x93: {  	v3 =	vor.u32 v3, v4  }
0x94: {  	v4 =	vperm.xlane v3, v0;
	_ =	sdelay $0x1  }
0x95: {  	v4 =	vadd.s32 v1, v4;
	_ =	sdelay $0x1  }
0x96: {  	v3 =	vperm.xlane v3, v2;
	_ =	sdelay $0x1  }
0x97: {  	s23 =	simm.s32 $0xC100;
	v3 =	vadd.s32 v1, v3  }
0x98: {  	[tilespmem:s23], [sflag:$0x2] =	stream.indirect_vreg.gather [hbm4b:s3+s2], $0x80, v4, vm0, $0xb8;
	[tilespmem:$0x10100] =	vst v63  }
0x99: {  	s8 =	simm.s32 $0xC900  }
0x9a: {  	[tilespmem:s8], [sflag:$0x2] =	stream.indirect_vreg.gather [hbm4b:s4+s2], $0x80, v4, vm0, $0xb8;
	[tilespmem:$0x10100] =	vst v63  }
0x9b: {  	s25 =	simm.s32 $0xD100  }
0x9c: {  	[tilespmem:s25], [sflag:$0x2] =	stream.indirect_vreg.gather [hbm4b:s3+s2], $0x80, v3, vm0, $0xb8;
	[tilespmem:$0x10100] =	vst v63  }
0x9d: {  	s26 =	simm.s32 $0xD900  }
0x9e: {  	[tilespmem:s26], [sflag:$0x2] =	stream.indirect_vreg.gather [hbm4b:s4+s2], $0x80, v3, vm0, $0xb8;
	[tilespmem:$0x10100] =	vst v63  }
0x9f: {  	v3 =	vld [tilespmem:$0xB0];
	_ =	sdelay $0x4  }
0xa0: {  	v43 =	vshll.u32 v3, $0x2  }
0xa1: {  	v3 =	vand.u32 $0x7, v3;
	v4 =	vand.u32 $0xFFFFFFE0, v43  }
0xa2: {  	v3 =	vor.u32 v3, v4  }
0xa3: {  	v4 =	vperm.xlane v3, v0;
	_ =	sdelay $0x1  }
0xa4: {  	v4 =	vadd.s32 v1, v4;
	_ =	sdelay $0x1  }
0xa5: {  	v3 =	vperm.xlane v3, v2;
	_ =	sdelay $0x1  }
0xa6: {  	s30 =	simm.s32 $0xE100;
	v3 =	vadd.s32 v1, v3  }
0xa7: {  	[tilespmem:s30], [sflag:$0x2] =	stream.indirect_vreg.gather [hbm4b:s3+s2], $0x80, v4, vm0, $0xb8;
	[tilespmem:$0x10100] =	vst v63  }
0xa8: {  	s0 =	simm.s32 $0xE900  }
0xa9: {  	[tilespmem:s0], [sflag:$0x2] =	stream.indirect_vreg.gather [hbm4b:s4+s2], $0x80, v4, vm0, $0xb8;
	[tilespmem:$0x10100] =	vst v63  }
0xaa: {  	s11 =	simm.s32 $0xF100  }
0xab: {  	[tilespmem:s11], [sflag:$0x2] =	stream.indirect_vreg.gather [hbm4b:s3+s2], $0x80, v3, vm0, $0xb8;
	[tilespmem:$0x10100] =	vst v63  }
0xac: {  	s12 =	simm.s32 $0xF900  }
0xad: {  	[tilespmem:s12], [sflag:$0x2] =	stream.indirect_vreg.gather [hbm4b:s4+s2], $0x80, v3, vm0, $0xb8;
	[tilespmem:$0x10100] =	vst v63  }
0xae: {  	_ =	swait.ge [sflag:s28], $0x8000  }
0xaf: {  	[sflag:s28] =	ssyncset.done $0x0  }
0xb0: {  	s18 =	rddreg [dreg:$0x7];
	[sflag:s28] =	ssyncadd.s32 $0xFFFF8000  }
0xb1: {  	[hbm4b:s18+s2] =	stream.linear.scatter [tilespmem:s16], [sflag:$0x3], $0x4000, $0x38;
	[tilespmem:$0x10100] =	vst v63  }
0xb2: {  	_ =	swait.ge [sflag:s6], $0x4000  }
0xb3: {  	[sflag:s6] =	ssyncset.done $0x0  }
0xb4: {  	s22 =	rddreg [dreg:$0x8];
	[sflag:s6] =	ssyncadd.s32 $0xFFFFC000  }
0xb5: {  	[hbm4b:s22+s2] =	stream.linear.scatter [tilespmem:s29], [sflag:$0x3], $0x4000, $0x38;
	[tilespmem:$0x10100] =	vst v63  }
0xb6: {  	_ =	swait.ge [sflag:s6], $0x4000  }
0xb7: {  	[sflag:s6] =	ssyncset.done $0x0  }
0xb8: {  	s23 =	rddreg [dreg:$0x9];
	[sflag:s6] =	ssyncadd.s32 $0xFFFFC000  }
0xb9: {  	[tilespmem:s2], [sflag:$0x3] =	stream.linear.gather [hbm4b:s23+s2], $0x20, $0x38;
	[tilespmem:$0x10100] =	vst v63  }
0xba: {  	_ =	swait.ge [sflag:s6], $0x20  }
0xbb: {  	[sflag:s6] =	ssyncset.done $0x0  }
0xbc: {  	s1 =	simm.s32 $0x20;
	s26 =	rddreg [dreg:$0xa];
	[sflag:s6] =	ssyncadd.s32 $0xFFFFFFE0  }
0xbd: {  	[tilespmem:s1], [sflag:$0x3] =	stream.linear.gather [hbm4b:s26+s2], $0x20, $0x38;
	[tilespmem:$0x10100] =	vst v63  }
0xbe: {  	_ =	swait.ge [sflag:s6], $0x20  }
0xbf: {  	[sflag:s6] =	ssyncset.done $0x0  }
0xc0: {  	[sflag:s6] =	ssyncadd.s32 $0xFFFFFFE0  }
0xc1: {  	v3 =	vld [tilespmem:$0x0];
	_ =	sdelay $0x4  }
0xc2: {  	v44 =	vshll.u32 v3, $0x2  }
0xc3: {  	v3 =	vand.u32 $0x7, v3;
	v4 =	vand.u32 $0xFFFFFFE0, v44  }
0xc4: {  	v3 =	vor.u32 v3, v4  }
0xc5: {  	v4 =	vperm.xlane v3, v0;
	_ =	sdelay $0x1  }
0xc6: {  	v4 =	vadd.s32 v1, v4;
	_ =	sdelay $0x1  }
0xc7: {  	v3 =	vperm.xlane v3, v2;
	_ =	sdelay $0x1  }
0xc8: {  	v3 =	vadd.s32 v1, v3  }
0xc9: {  	[tilespmem:s16], [sflag:$0x1] =	stream.indirect_vreg.gather [hbm4b:s3+s2], $0x80, v4, vm0, $0xb8;
	[tilespmem:$0x10100] =	vst v63  }
0xca: {  	s8 =	simm.s32 $0x900  }
0xcb: {  	[tilespmem:s8], [sflag:$0x1] =	stream.indirect_vreg.gather [hbm4b:s4+s2], $0x80, v4, vm0, $0xb8;
	[tilespmem:$0x10100] =	vst v63  }
0xcc: {  	s22 =	simm.s32 $0x1100  }
0xcd: {  	[tilespmem:s22], [sflag:$0x1] =	stream.indirect_vreg.gather [hbm4b:s3+s2], $0x80, v3, vm0, $0xb8;
	[tilespmem:$0x10100] =	vst v63  }
0xce: {  	s7 =	simm.s32 $0x1900  }
0xcf: {  	[tilespmem:s7], [sflag:$0x1] =	stream.indirect_vreg.gather [hbm4b:s4+s2], $0x80, v3, vm0, $0xb8;
	[tilespmem:$0x10100] =	vst v63  }
0xd0: {  	v3 =	vld [tilespmem:$0x10];
	_ =	sdelay $0x4  }
0xd1: {  	v45 =	vshll.u32 v3, $0x2  }
0xd2: {  	v3 =	vand.u32 $0x7, v3;
	v4 =	vand.u32 $0xFFFFFFE0, v45  }
0xd3: {  	v3 =	vor.u32 v3, v4  }
0xd4: {  	v4 =	vperm.xlane v3, v0;
	_ =	sdelay $0x1  }
0xd5: {  	v4 =	vadd.s32 v1, v4;
	_ =	sdelay $0x1  }
0xd6: {  	v3 =	vperm.xlane v3, v2;
	_ =	sdelay $0x1  }
0xd7: {  	s23 =	simm.s32 $0x2100;
	v3 =	vadd.s32 v1, v3  }
0xd8: {  	[tilespmem:s23], [sflag:$0x1] =	stream.indirect_vreg.gather [hbm4b:s3+s2], $0x80, v4, vm0, $0xb8;
	[tilespmem:$0x10100] =	vst v63  }
0xd9: {  	s26 =	simm.s32 $0x2900  }
0xda: {  	[tilespmem:s26], [sflag:$0x1] =	stream.indirect_vreg.gather [hbm4b:s4+s2], $0x80, v4, vm0, $0xb8;
	[tilespmem:$0x10100] =	vst v63  }
0xdb: {  	s1 =	simm.s32 $0x3100  }
0xdc: {  	[tilespmem:s1], [sflag:$0x1] =	stream.indirect_vreg.gather [hbm4b:s3+s2], $0x80, v3, vm0, $0xb8;
	[tilespmem:$0x10100] =	vst v63  }
0xdd: {  	s9 =	simm.s32 $0x3900  }
0xde: {  	[tilespmem:s9], [sflag:$0x1] =	stream.indirect_vreg.gather [hbm4b:s4+s2], $0x80, v3, vm0, $0xb8;
	[tilespmem:$0x10100] =	vst v63  }
0xdf: {  	v3 =	vld [tilespmem:$0x20];
	_ =	sdelay $0x4  }
0xe0: {  	v46 =	vshll.u32 v3, $0x2  }
0xe1: {  	v3 =	vand.u32 $0x7, v3;
	v4 =	vand.u32 $0xFFFFFFE0, v46  }
0xe2: {  	v3 =	vor.u32 v3, v4  }
0xe3: {  	v4 =	vperm.xlane v3, v0;
	_ =	sdelay $0x1  }
0xe4: {  	v4 =	vadd.s32 v1, v4;
	_ =	sdelay $0x1  }
0xe5: {  	v3 =	vperm.xlane v3, v2;
	_ =	sdelay $0x1  }
0xe6: {  	v3 =	vadd.s32 v1, v3  }
0xe7: {  	[tilespmem:s29], [sflag:$0x1] =	stream.indirect_vreg.gather [hbm4b:s3+s2], $0x80, v4, vm0, $0xb8;
	[tilespmem:$0x10100] =	vst v63  }
0xe8: {  	s30 =	simm.s32 $0x4900  }
0xe9: {  	[tilespmem:s30], [sflag:$0x1] =	stream.indirect_vreg.gather [hbm4b:s4+s2], $0x80, v4, vm0, $0xb8;
	[tilespmem:$0x10100] =	vst v63  }
0xea: {  	s9 =	simm.s32 $0x5100  }
0xeb: {  	[tilespmem:s9], [sflag:$0x1] =	stream.indirect_vreg.gather [hbm4b:s3+s2], $0x80, v3, vm0, $0xb8;
	[tilespmem:$0x10100] =	vst v63  }
0xec: {  	s10 =	simm.s32 $0x5900  }
0xed: {  	[tilespmem:s10], [sflag:$0x1] =	stream.indirect_vreg.gather [hbm4b:s4+s2], $0x80, v3, vm0, $0xb8;
	[tilespmem:$0x10100] =	vst v63  }
0xee: {  	v3 =	vld [tilespmem:$0x30];
	_ =	sdelay $0x4  }
0xef: {  	v47 =	vshll.u32 v3, $0x2  }
0xf0: {  	v3 =	vand.u32 $0x7, v3;
	v4 =	vand.u32 $0xFFFFFFE0, v47  }
0xf1: {  	v3 =	vor.u32 v3, v4  }
0xf2: {  	v4 =	vperm.xlane v3, v0;
	_ =	sdelay $0x1  }
0xf3: {  	v4 =	vadd.s32 v1, v4;
	_ =	sdelay $0x1  }
0xf4: {  	v3 =	vperm.xlane v3, v2;
	_ =	sdelay $0x1  }
0xf5: {  	s10 =	simm.s32 $0x6100;
	v3 =	vadd.s32 v1, v3  }
0xf6: {  	[tilespmem:s10], [sflag:$0x1] =	stream.indirect_vreg.gather [hbm4b:s3+s2], $0x80, v4, vm0, $0xb8;
	[tilespmem:$0x10100] =	vst v63  }
0xf7: {  	s11 =	simm.s32 $0x6900  }
0xf8: {  	[tilespmem:s11], [sflag:$0x1] =	stream.indirect_vreg.gather [hbm4b:s4+s2], $0x80, v4, vm0, $0xb8;
	[tilespmem:$0x10100] =	vst v63  }
0xf9: {  	s12 =	simm.s32 $0x7100  }
0xfa: {  	[tilespmem:s12], [sflag:$0x1] =	stream.indirect_vreg.gather [hbm4b:s3+s2], $0x80, v3, vm0, $0xb8;
	[tilespmem:$0x10100] =	vst v63  }
0xfb: {  	s14 =	simm.s32 $0x7900;
	s0 =	simm.s32 $0x2  }
0xfc: {  	[tilespmem:s14], [sflag:$0x1] =	stream.indirect_vreg.gather [hbm4b:s4+s2], $0x80, v3, vm0, $0xb8;
	[tilespmem:$0x10100] =	vst v63  }
0xfd: {  	_ =	swait.ge [sflag:s0], $0x8000  }
0xfe: {  	[sflag:s0] =	ssyncset.done $0x0  }
0xff: {  	s15 =	simm.s32 $0x8100;
	s7 =	rddreg [dreg:$0xb];
	[sflag:s0] =	ssyncadd.s32 $0xFFFF8000  }
0x100: {  	[hbm4b:s7+s2] =	stream.linear.scatter [tilespmem:s15], [sflag:$0x3], $0x4000, $0x38;
	[tilespmem:$0x10100] =	vst v63  }
0x101: {  	_ =	swait.ge [sflag:s6], $0x4000  }
0x102: {  	[sflag:s6] =	ssyncset.done $0x0  }
0x103: {  	s18 =	simm.s32 $0xC100;
	s14 =	rddreg [dreg:$0xc];
	[sflag:s6] =	ssyncadd.s32 $0xFFFFC000  }
0x104: {  	[hbm4b:s14+s2] =	stream.linear.scatter [tilespmem:s18], [sflag:$0x3], $0x4000, $0x38;
	[tilespmem:$0x10100] =	vst v63  }
0x105: {  	_ =	swait.ge [sflag:s6], $0x4000  }
0x106: {  	[sflag:s6] =	ssyncset.done $0x0  }
0x107: {  	s24 =	simm.s32 $0x80;
	s7 =	rddreg [dreg:$0xd];
	[sflag:s6] =	ssyncadd.s32 $0xFFFFC000  }
0x108: {  	[tilespmem:s24], [sflag:$0x3] =	stream.linear.gather [hbm4b:s7+s2], $0x20, $0x38;
	[tilespmem:$0x10100] =	vst v63  }
0x109: {  	_ =	swait.ge [sflag:s6], $0x20  }
0x10a: {  	[sflag:s6] =	ssyncset.done $0x0  }
0x10b: {  	s17 =	simm.s32 $0xA0;
	s14 =	rddreg [dreg:$0xe];
	[sflag:s6] =	ssyncadd.s32 $0xFFFFFFE0  }
0x10c: {  	[tilespmem:s17], [sflag:$0x3] =	stream.linear.gather [hbm4b:s14+s2], $0x20, $0x38;
	[tilespmem:$0x10100] =	vst v63  }
0x10d: {  	_ =	swait.ge [sflag:s6], $0x20  }
0x10e: {  	[sflag:s6] =	ssyncset.done $0x0  }
0x10f: {  	[sflag:s6] =	ssyncadd.s32 $0xFFFFFFE0  }
0x110: {  	v3 =	vld [tilespmem:$0x80];
	_ =	sdelay $0x4  }
0x111: {  	v48 =	vshll.u32 v3, $0x2  }
0x112: {  	v3 =	vand.u32 $0x7, v3;
	v4 =	vand.u32 $0xFFFFFFE0, v48  }
0x113: {  	v3 =	vor.u32 v3, v4  }
0x114: {  	v4 =	vperm.xlane v3, v0;
	_ =	sdelay $0x1  }
0x115: {  	v4 =	vadd.s32 v1, v4;
	_ =	sdelay $0x1  }
0x116: {  	v3 =	vperm.xlane v3, v2;
	_ =	sdelay $0x1  }
0x117: {  	v3 =	vadd.s32 v1, v3  }
0x118: {  	[tilespmem:s15], [sflag:$0x2] =	stream.indirect_vreg.gather [hbm4b:s3+s2], $0x80, v4, vm0, $0xb8;
	[tilespmem:$0x10100] =	vst v63  }
0x119: {  	s24 =	simm.s32 $0x8900  }
0x11a: {  	[tilespmem:s24], [sflag:$0x2] =	stream.indirect_vreg.gather [hbm4b:s4+s2], $0x80, v4, vm0, $0xb8;
	[tilespmem:$0x10100] =	vst v63  }
0x11b: {  	s13 =	simm.s32 $0x9100  }
0x11c: {  	[tilespmem:s13], [sflag:$0x2] =	stream.indirect_vreg.gather [hbm4b:s3+s2], $0x80, v3, vm0, $0xb8;
	[tilespmem:$0x10100] =	vst v63  }
0x11d: {  	s19 =	simm.s32 $0x9900  }
0x11e: {  	[tilespmem:s19], [sflag:$0x2] =	stream.indirect_vreg.gather [hbm4b:s4+s2], $0x80, v3, vm0, $0xb8;
	[tilespmem:$0x10100] =	vst v63  }
0x11f: {  	v3 =	vld [tilespmem:$0x90];
	_ =	sdelay $0x4  }
0x120: {  	v49 =	vshll.u32 v3, $0x2  }
0x121: {  	v3 =	vand.u32 $0x7, v3;
	v4 =	vand.u32 $0xFFFFFFE0, v49  }
0x122: {  	v3 =	vor.u32 v3, v4  }
0x123: {  	v4 =	vperm.xlane v3, v0;
	_ =	sdelay $0x1  }
0x124: {  	v4 =	vadd.s32 v1, v4;
	_ =	sdelay $0x1  }
0x125: {  	v3 =	vperm.xlane v3, v2;
	_ =	sdelay $0x1  }
0x126: {  	s13 =	simm.s32 $0xA100;
	v3 =	vadd.s32 v1, v3  }
0x127: {  	[tilespmem:s13], [sflag:$0x2] =	stream.indirect_vreg.gather [hbm4b:s3+s2], $0x80, v4, vm0, $0xb8;
	[tilespmem:$0x10100] =	vst v63  }
0x128: {  	s15 =	simm.s32 $0xA900  }
0x129: {  	[tilespmem:s15], [sflag:$0x2] =	stream.indirect_vreg.gather [hbm4b:s4+s2], $0x80, v4, vm0, $0xb8;
	[tilespmem:$0x10100] =	vst v63  }
0x12a: {  	s17 =	simm.s32 $0xB100  }
0x12b: {  	[tilespmem:s17], [sflag:$0x2] =	stream.indirect_vreg.gather [hbm4b:s3+s2], $0x80, v3, vm0, $0xb8;
	[tilespmem:$0x10100] =	vst v63  }
0x12c: {  	s20 =	simm.s32 $0xB900  }
0x12d: {  	[tilespmem:s20], [sflag:$0x2] =	stream.indirect_vreg.gather [hbm4b:s4+s2], $0x80, v3, vm0, $0xb8;
	[tilespmem:$0x10100] =	vst v63  }
0x12e: {  	v3 =	vld [tilespmem:$0xA0];
	_ =	sdelay $0x4  }
0x12f: {  	v50 =	vshll.u32 v3, $0x2  }
0x130: {  	v3 =	vand.u32 $0x7, v3;
	v4 =	vand.u32 $0xFFFFFFE0, v50  }
0x131: {  	v3 =	vor.u32 v3, v4  }
0x132: {  	v4 =	vperm.xlane v3, v0;
	_ =	sdelay $0x1  }
0x133: {  	v4 =	vadd.s32 v1, v4;
	_ =	sdelay $0x1  }
0x134: {  	v3 =	vperm.xlane v3, v2;
	_ =	sdelay $0x1  }
0x135: {  	v3 =	vadd.s32 v1, v3  }
0x136: {  	[tilespmem:s18], [sflag:$0x2] =	stream.indirect_vreg.gather [hbm4b:s3+s2], $0x80, v4, vm0, $0xb8;
	[tilespmem:$0x10100] =	vst v63  }
0x137: {  	s18 =	simm.s32 $0xC900  }
0x138: {  	[tilespmem:s18], [sflag:$0x2] =	stream.indirect_vreg.gather [hbm4b:s4+s2], $0x80, v4, vm0, $0xb8;
	[tilespmem:$0x10100] =	vst v63  }
0x139: {  	s19 =	simm.s32 $0xD100  }
0x13a: {  	[tilespmem:s19], [sflag:$0x2] =	stream.indirect_vreg.gather [hbm4b:s3+s2], $0x80, v3, vm0, $0xb8;
	[tilespmem:$0x10100] =	vst v63  }
0x13b: {  	s21 =	simm.s32 $0xD900  }
0x13c: {  	[tilespmem:s21], [sflag:$0x2] =	stream.indirect_vreg.gather [hbm4b:s4+s2], $0x80, v3, vm0, $0xb8;
	[tilespmem:$0x10100] =	vst v63  }
0x13d: {  	v3 =	vld [tilespmem:$0xB0];
	_ =	sdelay $0x4  }
0x13e: {  	v51 =	vshll.u32 v3, $0x2  }
0x13f: {  	v3 =	vand.u32 $0x7, v3;
	v4 =	vand.u32 $0xFFFFFFE0, v51  }
0x140: {  	v3 =	vor.u32 v3, v4  }
0x141: {  	v4 =	vperm.xlane v3, v0;
	_ =	sdelay $0x1  }
0x142: {  	v4 =	vadd.s32 v1, v4;
	_ =	sdelay $0x1  }
0x143: {  	v3 =	vperm.xlane v3, v2;
	_ =	sdelay $0x1  }
0x144: {  	s20 =	simm.s32 $0xE100;
	v3 =	vadd.s32 v1, v3  }
0x145: {  	[tilespmem:s20], [sflag:$0x2] =	stream.indirect_vreg.gather [hbm4b:s3+s2], $0x80, v4, vm0, $0xb8;
	[tilespmem:$0x10100] =	vst v63  }
0x146: {  	s21 =	simm.s32 $0xE900  }
0x147: {  	[tilespmem:s21], [sflag:$0x2] =	stream.indirect_vreg.gather [hbm4b:s4+s2], $0x80, v4, vm0, $0xb8;
	[tilespmem:$0x10100] =	vst v63  }
0x148: {  	s24 =	simm.s32 $0xF100  }
0x149: {  	[tilespmem:s24], [sflag:$0x2] =	stream.indirect_vreg.gather [hbm4b:s3+s2], $0x80, v3, vm0, $0xb8;
	[tilespmem:$0x10100] =	vst v63  }
0x14a: {  	s25 =	simm.s32 $0xF900  }
0x14b: {  	[tilespmem:s25], [sflag:$0x2] =	stream.indirect_vreg.gather [hbm4b:s4+s2], $0x80, v3, vm0, $0xb8;
	[tilespmem:$0x10100] =	vst v63  }
0x14c: {  	_ =	swait.ge [sflag:s28], $0x8000  }
0x14d: {  	[sflag:s28] =	ssyncset.done $0x0  }
0x14e: {  	s25 =	rddreg [dreg:$0xf];
	[sflag:s28] =	ssyncadd.s32 $0xFFFF8000  }
0x14f: {  	[hbm4b:s25+s2] =	stream.linear.scatter [tilespmem:s16], [sflag:$0x3], $0x4000, $0x38;
	[tilespmem:$0x10100] =	vst v63  }
0x150: {  	_ =	swait.ge [sflag:s6], $0x4000  }
0x151: {  	[sflag:s6] =	ssyncset.done $0x0  }
0x152: {  	s7 =	rddreg [dreg:$0x10];
	[sflag:s6] =	ssyncadd.s32 $0xFFFFC000  }
0x153: {  	[hbm4b:s7+s2] =	stream.linear.scatter [tilespmem:s29], [sflag:$0x3], $0x4000, $0x38;
	[tilespmem:$0x10100] =	vst v63  }
0x154: {  	_ =	swait.ge [sflag:s6], $0x4000  }
0x155: {  	[sflag:s6] =	ssyncset.done $0x0  }
0x156: {  	s25 =	rddreg [dreg:$0x11];
	[sflag:s6] =	ssyncadd.s32 $0xFFFFC000  }
0x157: {  	[tilespmem:s2], [sflag:$0x3] =	stream.linear.gather [hbm4b:s25+s2], $0x20, $0x38;
	[tilespmem:$0x10100] =	vst v63  }
0x158: {  	_ =	swait.ge [sflag:s6], $0x20  }
0x159: {  	[sflag:s6] =	ssyncset.done $0x0  }
0x15a: {  	s7 =	rddreg [dreg:$0x12];
	[sflag:s6] =	ssyncadd.s32 $0xFFFFFFE0  }
0x15b: {  	[tilespmem:s31], [sflag:$0x3] =	stream.linear.gather [hbm4b:s7+s2], $0x20, $0x38;
	[tilespmem:$0x10100] =	vst v63  }
0x15c: {  	_ =	swait.ge [sflag:s6], $0x20  }
0x15d: {  	[sflag:s6] =	ssyncset.done $0x0  }
0x15e: {  	[sflag:s6] =	ssyncadd.s32 $0xFFFFFFE0  }
0x15f: {  	v3 =	vld [tilespmem:$0x0];
	_ =	sdelay $0x4  }
0x160: {  	v52 =	vshll.u32 v3, $0x2  }
0x161: {  	v3 =	vand.u32 $0x7, v3;
	v4 =	vand.u32 $0xFFFFFFE0, v52  }
0x162: {  	v3 =	vor.u32 v3, v4  }
0x163: {  	v4 =	vperm.xlane v3, v0;
	_ =	sdelay $0x1  }
0x164: {  	v4 =	vadd.s32 v1, v4;
	_ =	sdelay $0x1  }
0x165: {  	v3 =	vperm.xlane v3, v2;
	_ =	sdelay $0x1  }
0x166: {  	v3 =	vadd.s32 v1, v3  }
0x167: {  	[tilespmem:s16], [sflag:$0x1] =	stream.indirect_vreg.gather [hbm4b:s3+s2], $0x80, v4, vm0, $0xb8;
	[tilespmem:$0x10100] =	vst v63  }
0x168: {  	_ = 	snop  }
0x169: {  	[tilespmem:s8], [sflag:$0x1] =	stream.indirect_vreg.gather [hbm4b:s4+s2], $0x80, v4, vm0, $0xb8;
	[tilespmem:$0x10100] =	vst v63  }
0x16a: {  	_ = 	snop  }
0x16b: {  	[tilespmem:s22], [sflag:$0x1] =	stream.indirect_vreg.gather [hbm4b:s3+s2], $0x80, v3, vm0, $0xb8;
	[tilespmem:$0x10100] =	vst v63  }
0x16c: {  	s25 =	simm.s32 $0x1900  }
0x16d: {  	[tilespmem:s25], [sflag:$0x1] =	stream.indirect_vreg.gather [hbm4b:s4+s2], $0x80, v3, vm0, $0xb8;
	[tilespmem:$0x10100] =	vst v63  }
0x16e: {  	v3 =	vld [tilespmem:$0x10];
	_ =	sdelay $0x4  }
0x16f: {  	v53 =	vshll.u32 v3, $0x2  }
0x170: {  	v3 =	vand.u32 $0x7, v3;
	v4 =	vand.u32 $0xFFFFFFE0, v53  }
0x171: {  	v3 =	vor.u32 v3, v4  }
0x172: {  	v4 =	vperm.xlane v3, v0;
	_ =	sdelay $0x1  }
0x173: {  	v4 =	vadd.s32 v1, v4;
	_ =	sdelay $0x1  }
0x174: {  	v3 =	vperm.xlane v3, v2;
	_ =	sdelay $0x1  }
0x175: {  	v3 =	vadd.s32 v1, v3  }
0x176: {  	[tilespmem:s23], [sflag:$0x1] =	stream.indirect_vreg.gather [hbm4b:s3+s2], $0x80, v4, vm0, $0xb8;
	[tilespmem:$0x10100] =	vst v63  }
0x177: {  	_ = 	snop  }
0x178: {  	[tilespmem:s26], [sflag:$0x1] =	stream.indirect_vreg.gather [hbm4b:s4+s2], $0x80, v4, vm0, $0xb8;
	[tilespmem:$0x10100] =	vst v63  }
0x179: {  	_ = 	snop  }
0x17a: {  	[tilespmem:s1], [sflag:$0x1] =	stream.indirect_vreg.gather [hbm4b:s3+s2], $0x80, v3, vm0, $0xb8;
	[tilespmem:$0x10100] =	vst v63  }
0x17b: {  	s7 =	simm.s32 $0x3900  }
0x17c: {  	[tilespmem:s7], [sflag:$0x1] =	stream.indirect_vreg.gather [hbm4b:s4+s2], $0x80, v3, vm0, $0xb8;
	[tilespmem:$0x10100] =	vst v63  }
0x17d: {  	v3 =	vld [tilespmem:$0x20];
	_ =	sdelay $0x4  }
0x17e: {  	v54 =	vshll.u32 v3, $0x2  }
0x17f: {  	v3 =	vand.u32 $0x7, v3;
	v4 =	vand.u32 $0xFFFFFFE0, v54  }
0x180: {  	v3 =	vor.u32 v3, v4  }
0x181: {  	v4 =	vperm.xlane v3, v0;
	_ =	sdelay $0x1  }
0x182: {  	v4 =	vadd.s32 v1, v4;
	_ =	sdelay $0x1  }
0x183: {  	v3 =	vperm.xlane v3, v2;
	_ =	sdelay $0x1  }
0x184: {  	v3 =	vadd.s32 v1, v3  }
0x185: {  	[tilespmem:s29], [sflag:$0x1] =	stream.indirect_vreg.gather [hbm4b:s3+s2], $0x80, v4, vm0, $0xb8;
	[tilespmem:$0x10100] =	vst v63  }
0x186: {  	s8 =	simm.s32 $0x4900  }
0x187: {  	[tilespmem:s8], [sflag:$0x1] =	stream.indirect_vreg.gather [hbm4b:s4+s2], $0x80, v4, vm0, $0xb8;
	[tilespmem:$0x10100] =	vst v63  }
0x188: {  	_ = 	snop  }
0x189: {  	[tilespmem:s9], [sflag:$0x1] =	stream.indirect_vreg.gather [hbm4b:s3+s2], $0x80, v3, vm0, $0xb8;
	[tilespmem:$0x10100] =	vst v63  }
0x18a: {  	s8 =	simm.s32 $0x5900  }
0x18b: {  	[tilespmem:s8], [sflag:$0x1] =	stream.indirect_vreg.gather [hbm4b:s4+s2], $0x80, v3, vm0, $0xb8;
	[tilespmem:$0x10100] =	vst v63  }
0x18c: {  	v3 =	vld [tilespmem:$0x30];
	_ =	sdelay $0x4  }
0x18d: {  	v55 =	vshll.u32 v3, $0x2  }
0x18e: {  	v3 =	vand.u32 $0x7, v3;
	v4 =	vand.u32 $0xFFFFFFE0, v55  }
0x18f: {  	v3 =	vor.u32 v3, v4  }
0x190: {  	v4 =	vperm.xlane v3, v0;
	_ =	sdelay $0x1  }
0x191: {  	v4 =	vadd.s32 v1, v4;
	_ =	sdelay $0x1  }
0x192: {  	v3 =	vperm.xlane v3, v2;
	_ =	sdelay $0x1  }
0x193: {  	v3 =	vadd.s32 v1, v3  }
0x194: {  	[tilespmem:s10], [sflag:$0x1] =	stream.indirect_vreg.gather [hbm4b:s3+s2], $0x80, v4, vm0, $0xb8;
	[tilespmem:$0x10100] =	vst v63  }
0x195: {  	_ = 	snop  }
0x196: {  	[tilespmem:s11], [sflag:$0x1] =	stream.indirect_vreg.gather [hbm4b:s4+s2], $0x80, v4, vm0, $0xb8;
	[tilespmem:$0x10100] =	vst v63  }
0x197: {  	_ = 	snop  }
0x198: {  	[tilespmem:s12], [sflag:$0x1] =	stream.indirect_vreg.gather [hbm4b:s3+s2], $0x80, v3, vm0, $0xb8;
	[tilespmem:$0x10100] =	vst v63  }
0x199: {  	s9 =	simm.s32 $0x7900  }
0x19a: {  	[tilespmem:s9], [sflag:$0x1] =	stream.indirect_vreg.gather [hbm4b:s4+s2], $0x80, v3, vm0, $0xb8;
	[tilespmem:$0x10100] =	vst v63  }
0x19b: {  	_ =	swait.ge [sflag:s0], $0x8000  }
0x19c: {  	[sflag:s0] =	ssyncset.done $0x0  }
0x19d: {  	s1 =	simm.s32 $0x8100;
	s10 =	rddreg [dreg:$0x13];
	[sflag:s0] =	ssyncadd.s32 $0xFFFF8000  }
0x19e: {  	[hbm4b:s10+s2] =	stream.linear.scatter [tilespmem:s1], [sflag:$0x3], $0x4000, $0x38;
	[tilespmem:$0x10100] =	vst v63  }
0x19f: {  	_ =	swait.ge [sflag:s6], $0x4000  }
0x1a0: {  	[sflag:s6] =	ssyncset.done $0x0  }
0x1a1: {  	s14 =	simm.s32 $0xC100;
	s10 =	rddreg [dreg:$0x14];
	[sflag:s6] =	ssyncadd.s32 $0xFFFFC000  }
0x1a2: {  	[hbm4b:s10+s2] =	stream.linear.scatter [tilespmem:s14], [sflag:$0x3], $0x4000, $0x38;
	[tilespmem:$0x10100] =	vst v63  }
0x1a3: {  	_ =	swait.ge [sflag:s6], $0x4000  }
0x1a4: {  	[sflag:s6] =	ssyncset.done $0x0  }
0x1a5: {  	s10 =	simm.s32 $0x80;
	s30 =	rddreg [dreg:$0x15];
	[sflag:s6] =	ssyncadd.s32 $0xFFFFC000  }
0x1a6: {  	[tilespmem:s10], [sflag:$0x3] =	stream.linear.gather [hbm4b:s30+s2], $0x20, $0x38;
	[tilespmem:$0x10100] =	vst v63  }
0x1a7: {  	_ =	swait.ge [sflag:s6], $0x20  }
0x1a8: {  	[sflag:s6] =	ssyncset.done $0x0  }
0x1a9: {  	s10 =	simm.s32 $0xA0;
	s30 =	rddreg [dreg:$0x16];
	[sflag:s6] =	ssyncadd.s32 $0xFFFFFFE0  }
0x1aa: {  	[tilespmem:s10], [sflag:$0x3] =	stream.linear.gather [hbm4b:s30+s2], $0x20, $0x38;
	[tilespmem:$0x10100] =	vst v63  }
0x1ab: {  	_ =	swait.ge [sflag:s6], $0x20  }
0x1ac: {  	[sflag:s6] =	ssyncset.done $0x0  }
0x1ad: {  	[sflag:s6] =	ssyncadd.s32 $0xFFFFFFE0  }
0x1ae: {  	v3 =	vld [tilespmem:$0x80];
	_ =	sdelay $0x4  }
0x1af: {  	v56 =	vshll.u32 v3, $0x2  }
0x1b0: {  	v3 =	vand.u32 $0x7, v3;
	v4 =	vand.u32 $0xFFFFFFE0, v56  }
0x1b1: {  	v3 =	vor.u32 v3, v4  }
0x1b2: {  	v4 =	vperm.xlane v3, v0;
	_ =	sdelay $0x1  }
0x1b3: {  	v4 =	vadd.s32 v1, v4;
	_ =	sdelay $0x1  }
0x1b4: {  	v3 =	vperm.xlane v3, v2;
	_ =	sdelay $0x1  }
0x1b5: {  	v3 =	vadd.s32 v1, v3  }
0x1b6: {  	[tilespmem:s1], [sflag:$0x2] =	stream.indirect_vreg.gather [hbm4b:s3+s2], $0x80, v4, vm0, $0xb8;
	[tilespmem:$0x10100] =	vst v63  }
0x1b7: {  	s10 =	simm.s32 $0x8900  }
0x1b8: {  	[tilespmem:s10], [sflag:$0x2] =	stream.indirect_vreg.gather [hbm4b:s4+s2], $0x80, v4, vm0, $0xb8;
	[tilespmem:$0x10100] =	vst v63  }
0x1b9: {  	s10 =	simm.s32 $0x9100  }
0x1ba: {  	[tilespmem:s10], [sflag:$0x2] =	stream.indirect_vreg.gather [hbm4b:s3+s2], $0x80, v3, vm0, $0xb8;
	[tilespmem:$0x10100] =	vst v63  }
0x1bb: {  	s30 =	simm.s32 $0x9900  }
0x1bc: {  	[tilespmem:s30], [sflag:$0x2] =	stream.indirect_vreg.gather [hbm4b:s4+s2], $0x80, v3, vm0, $0xb8;
	[tilespmem:$0x10100] =	vst v63  }
0x1bd: {  	v3 =	vld [tilespmem:$0x90];
	_ =	sdelay $0x4  }
0x1be: {  	v57 =	vshll.u32 v3, $0x2  }
0x1bf: {  	v3 =	vand.u32 $0x7, v3;
	v4 =	vand.u32 $0xFFFFFFE0, v57  }
0x1c0: {  	v3 =	vor.u32 v3, v4  }
0x1c1: {  	v4 =	vperm.xlane v3, v0;
	_ =	sdelay $0x1  }
0x1c2: {  	v4 =	vadd.s32 v1, v4;
	_ =	sdelay $0x1  }
0x1c3: {  	v3 =	vperm.xlane v3, v2;
	_ =	sdelay $0x1  }
0x1c4: {  	v3 =	vadd.s32 v1, v3  }
0x1c5: {  	[tilespmem:s13], [sflag:$0x2] =	stream.indirect_vreg.gather [hbm4b:s3+s2], $0x80, v4, vm0, $0xb8;
	[tilespmem:$0x10100] =	vst v63  }
0x1c6: {  	_ = 	snop  }
0x1c7: {  	[tilespmem:s15], [sflag:$0x2] =	stream.indirect_vreg.gather [hbm4b:s4+s2], $0x80, v4, vm0, $0xb8;
	[tilespmem:$0x10100] =	vst v63  }
0x1c8: {  	_ = 	snop  }
0x1c9: {  	[tilespmem:s17], [sflag:$0x2] =	stream.indirect_vreg.gather [hbm4b:s3+s2], $0x80, v3, vm0, $0xb8;
	[tilespmem:$0x10100] =	vst v63  }
0x1ca: {  	s17 =	simm.s32 $0xB900  }
0x1cb: {  	[tilespmem:s17], [sflag:$0x2] =	stream.indirect_vreg.gather [hbm4b:s4+s2], $0x80, v3, vm0, $0xb8;
	[tilespmem:$0x10100] =	vst v63  }
0x1cc: {  	v3 =	vld [tilespmem:$0xA0];
	_ =	sdelay $0x4  }
0x1cd: {  	v58 =	vshll.u32 v3, $0x2  }
0x1ce: {  	v3 =	vand.u32 $0x7, v3;
	v4 =	vand.u32 $0xFFFFFFE0, v58  }
0x1cf: {  	v3 =	vor.u32 v3, v4  }
0x1d0: {  	v4 =	vperm.xlane v3, v0;
	_ =	sdelay $0x1  }
0x1d1: {  	v4 =	vadd.s32 v1, v4;
	_ =	sdelay $0x1  }
0x1d2: {  	v3 =	vperm.xlane v3, v2;
	_ =	sdelay $0x1  }
0x1d3: {  	v3 =	vadd.s32 v1, v3  }
0x1d4: {  	[tilespmem:s14], [sflag:$0x2] =	stream.indirect_vreg.gather [hbm4b:s3+s2], $0x80, v4, vm0, $0xb8;
	[tilespmem:$0x10100] =	vst v63  }
0x1d5: {  	_ = 	snop  }
0x1d6: {  	[tilespmem:s18], [sflag:$0x2] =	stream.indirect_vreg.gather [hbm4b:s4+s2], $0x80, v4, vm0, $0xb8;
	[tilespmem:$0x10100] =	vst v63  }
0x1d7: {  	_ = 	snop  }
0x1d8: {  	[tilespmem:s19], [sflag:$0x2] =	stream.indirect_vreg.gather [hbm4b:s3+s2], $0x80, v3, vm0, $0xb8;
	[tilespmem:$0x10100] =	vst v63  }
0x1d9: {  	s19 =	simm.s32 $0xD900  }
0x1da: {  	[tilespmem:s19], [sflag:$0x2] =	stream.indirect_vreg.gather [hbm4b:s4+s2], $0x80, v3, vm0, $0xb8;
	[tilespmem:$0x10100] =	vst v63  }
0x1db: {  	v3 =	vld [tilespmem:$0xB0];
	_ =	sdelay $0x4  }
0x1dc: {  	v59 =	vshll.u32 v3, $0x2  }
0x1dd: {  	v3 =	vand.u32 $0x7, v3;
	v4 =	vand.u32 $0xFFFFFFE0, v59  }
0x1de: {  	v3 =	vor.u32 v3, v4  }
0x1df: {  	v4 =	vperm.xlane v3, v0;
	_ =	sdelay $0x1  }
0x1e0: {  	v4 =	vadd.s32 v1, v4;
	_ =	sdelay $0x1  }
0x1e1: {  	v3 =	vperm.xlane v3, v2;
	_ =	sdelay $0x1  }
0x1e2: {  	v3 =	vadd.s32 v1, v3  }
0x1e3: {  	[tilespmem:s20], [sflag:$0x2] =	stream.indirect_vreg.gather [hbm4b:s3+s2], $0x80, v4, vm0, $0xb8;
	[tilespmem:$0x10100] =	vst v63  }
0x1e4: {  	_ = 	snop  }
0x1e5: {  	[tilespmem:s21], [sflag:$0x2] =	stream.indirect_vreg.gather [hbm4b:s4+s2], $0x80, v4, vm0, $0xb8;
	[tilespmem:$0x10100] =	vst v63  }
0x1e6: {  	_ = 	snop  }
0x1e7: {  	[tilespmem:s24], [sflag:$0x2] =	stream.indirect_vreg.gather [hbm4b:s3+s2], $0x80, v3, vm0, $0xb8;
	[tilespmem:$0x10100] =	vst v63  }
0x1e8: {  	s30 =	simm.s32 $0xF900  }
0x1e9: {  	[tilespmem:s30], [sflag:$0x2] =	stream.indirect_vreg.gather [hbm4b:s4+s2], $0x80, v3, vm0, $0xb8;
	[tilespmem:$0x10100] =	vst v63  }
0x1ea: {  	_ =	swait.ge [sflag:s28], $0x8000  }
0x1eb: {  	[sflag:s28] =	ssyncset.done $0x0  }
0x1ec: {  	s10 =	rddreg [dreg:$0x17];
	[sflag:s28] =	ssyncadd.s32 $0xFFFF8000  }
0x1ed: {  	[hbm4b:s10+s2] =	stream.linear.scatter [tilespmem:s16], [sflag:$0x3], $0x4000, $0x38;
	[tilespmem:$0x10100] =	vst v63  }
0x1ee: {  	_ =	swait.ge [sflag:s6], $0x4000  }
0x1ef: {  	[sflag:s6] =	ssyncset.done $0x0  }
0x1f0: {  	s13 =	rddreg [dreg:$0x18];
	[sflag:s6] =	ssyncadd.s32 $0xFFFFC000  }
0x1f1: {  	[hbm4b:s13+s2] =	stream.linear.scatter [tilespmem:s29], [sflag:$0x3], $0x4000, $0x38;
	[tilespmem:$0x10100] =	vst v63  }
0x1f2: {  	_ =	swait.ge [sflag:s6], $0x4000  }
0x1f3: {  	[sflag:s6] =	ssyncset.done $0x0  }
0x1f4: {  	s15 =	rddreg [dreg:$0x19];
	[sflag:s6] =	ssyncadd.s32 $0xFFFFC000  }
0x1f5: {  	[tilespmem:s2], [sflag:$0x3] =	stream.linear.gather [hbm4b:s15+s2], $0x20, $0x38;
	[tilespmem:$0x10100] =	vst v63  }
0x1f6: {  	_ =	swait.ge [sflag:s6], $0x20  }
0x1f7: {  	[sflag:s6] =	ssyncset.done $0x0  }
0x1f8: {  	s17 =	rddreg [dreg:$0x1a];
	[sflag:s6] =	ssyncadd.s32 $0xFFFFFFE0  }
0x1f9: {  	[tilespmem:s31], [sflag:$0x3] =	stream.linear.gather [hbm4b:s17+s2], $0x20, $0x38;
	[tilespmem:$0x10100] =	vst v63  }
0x1fa: {  	_ =	swait.ge [sflag:s6], $0x20  }
0x1fb: {  	[sflag:s6] =	ssyncset.done $0x0  }
0x1fc: {  	[sflag:s6] =	ssyncadd.s32 $0xFFFFFFE0  }
0x1fd: {  	v3 =	vld [tilespmem:$0x0];
	_ =	sdelay $0x4  }
0x1fe: {  	v60 =	vshll.u32 v3, $0x2  }
0x1ff: {  	v3 =	vand.u32 $0x7, v3;
	v4 =	vand.u32 $0xFFFFFFE0, v60  }
0x200: {  	v3 =	vor.u32 v3, v4  }
0x201: {  	v4 =	vperm.xlane v3, v0;
	_ =	sdelay $0x1  }
0x202: {  	v4 =	vadd.s32 v1, v4;
	_ =	sdelay $0x1  }
0x203: {  	v3 =	vperm.xlane v3, v2;
	_ =	sdelay $0x1  }
0x204: {  	v3 =	vadd.s32 v1, v3  }
0x205: {  	[tilespmem:s16], [sflag:$0x1] =	stream.indirect_vreg.gather [hbm4b:s3+s2], $0x80, v4, vm0, $0xb8;
	[tilespmem:$0x10100] =	vst v63  }
0x206: {  	s18 =	simm.s32 $0x900  }
0x207: {  	[tilespmem:s18], [sflag:$0x1] =	stream.indirect_vreg.gather [hbm4b:s4+s2], $0x80, v4, vm0, $0xb8;
	[tilespmem:$0x10100] =	vst v63  }
0x208: {  	s22 =	simm.s32 $0x1100  }
0x209: {  	[tilespmem:s22], [sflag:$0x1] =	stream.indirect_vreg.gather [hbm4b:s3+s2], $0x80, v3, vm0, $0xb8;
	[tilespmem:$0x10100] =	vst v63  }
0x20a: {  	_ = 	snop  }
0x20b: {  	[tilespmem:s25], [sflag:$0x1] =	stream.indirect_vreg.gather [hbm4b:s4+s2], $0x80, v3, vm0, $0xb8;
	[tilespmem:$0x10100] =	vst v63  }
0x20c: {  	v3 =	vld [tilespmem:$0x10];
	_ =	sdelay $0x4  }
0x20d: {  	v61 =	vshll.u32 v3, $0x2  }
0x20e: {  	v3 =	vand.u32 $0x7, v3;
	v4 =	vand.u32 $0xFFFFFFE0, v61  }
0x20f: {  	v3 =	vor.u32 v3, v4  }
0x210: {  	v4 =	vperm.xlane v3, v0;
	_ =	sdelay $0x1  }
0x211: {  	v4 =	vadd.s32 v1, v4;
	_ =	sdelay $0x1  }
0x212: {  	v3 =	vperm.xlane v3, v2;
	_ =	sdelay $0x1  }
0x213: {  	s23 =	simm.s32 $0x2100;
	v3 =	vadd.s32 v1, v3  }
0x214: {  	[tilespmem:s23], [sflag:$0x1] =	stream.indirect_vreg.gather [hbm4b:s3+s2], $0x80, v4, vm0, $0xb8;
	[tilespmem:$0x10100] =	vst v63  }
0x215: {  	s26 =	simm.s32 $0x2900  }
0x216: {  	[tilespmem:s26], [sflag:$0x1] =	stream.indirect_vreg.gather [hbm4b:s4+s2], $0x80, v4, vm0, $0xb8;
	[tilespmem:$0x10100] =	vst v63  }
0x217: {  	s19 =	simm.s32 $0x3100  }
0x218: {  	[tilespmem:s19], [sflag:$0x1] =	stream.indirect_vreg.gather [hbm4b:s3+s2], $0x80, v3, vm0, $0xb8;
	[tilespmem:$0x10100] =	vst v63  }
0x219: {  	_ = 	snop  }
0x21a: {  	[tilespmem:s7], [sflag:$0x1] =	stream.indirect_vreg.gather [hbm4b:s4+s2], $0x80, v3, vm0, $0xb8;
	[tilespmem:$0x10100] =	vst v63  }
0x21b: {  	v3 =	vld [tilespmem:$0x20];
	_ =	sdelay $0x4  }
0x21c: {  	v62 =	vshll.u32 v3, $0x2  }
0x21d: {  	v3 =	vand.u32 $0x7, v3;
	v4 =	vand.u32 $0xFFFFFFE0, v62  }
0x21e: {  	v3 =	vor.u32 v3, v4  }
0x21f: {  	v4 =	vperm.xlane v3, v0;
	_ =	sdelay $0x1  }
0x220: {  	v4 =	vadd.s32 v1, v4;
	_ =	sdelay $0x1  }
0x221: {  	v3 =	vperm.xlane v3, v2;
	_ =	sdelay $0x1  }
0x222: {  	v3 =	vadd.s32 v1, v3  }
0x223: {  	[tilespmem:s29], [sflag:$0x1] =	stream.indirect_vreg.gather [hbm4b:s3+s2], $0x80, v4, vm0, $0xb8;
	[tilespmem:$0x10100] =	vst v63  }
0x224: {  	s20 =	simm.s32 $0x4900  }
0x225: {  	[tilespmem:s20], [sflag:$0x1] =	stream.indirect_vreg.gather [hbm4b:s4+s2], $0x80, v4, vm0, $0xb8;
	[tilespmem:$0x10100] =	vst v63  }
0x226: {  	s21 =	simm.s32 $0x5100  }
0x227: {  	[tilespmem:s21], [sflag:$0x1] =	stream.indirect_vreg.gather [hbm4b:s3+s2], $0x80, v3, vm0, $0xb8;
	[tilespmem:$0x10100] =	vst v63  }
0x228: {  	_ = 	snop  }
0x229: {  	[tilespmem:s8], [sflag:$0x1] =	stream.indirect_vreg.gather [hbm4b:s4+s2], $0x80, v3, vm0, $0xb8;
	[tilespmem:$0x10100] =	vst v63  }
0x22a: {  	v3 =	vld [tilespmem:$0x30];
	_ =	sdelay $0x4  }
0x22b: {  	v63 =	vshll.u32 v3, $0x2  }
0x22c: {  	v3 =	vand.u32 $0x7, v3;
	v4 =	vand.u32 $0xFFFFFFE0, v63  }
0x22d: {  	v3 =	vor.u32 v3, v4  }
0x22e: {  	v4 =	vperm.xlane v3, v0;
	_ =	sdelay $0x1  }
0x22f: {  	v4 =	vadd.s32 v1, v4;
	_ =	sdelay $0x1  }
0x230: {  	v3 =	vperm.xlane v3, v2;
	_ =	sdelay $0x1  }
0x231: {  	s22 =	simm.s32 $0x6100;
	v3 =	vadd.s32 v1, v3  }
0x232: {  	[tilespmem:s22], [sflag:$0x1] =	stream.indirect_vreg.gather [hbm4b:s3+s2], $0x80, v4, vm0, $0xb8;
	[tilespmem:$0x10100] =	vst v63  }
0x233: {  	s11 =	simm.s32 $0x6900  }
0x234: {  	[tilespmem:s11], [sflag:$0x1] =	stream.indirect_vreg.gather [hbm4b:s4+s2], $0x80, v4, vm0, $0xb8;
	[tilespmem:$0x10100] =	vst v63  }
0x235: {  	s12 =	simm.s32 $0x7100  }
0x236: {  	[tilespmem:s12], [sflag:$0x1] =	stream.indirect_vreg.gather [hbm4b:s3+s2], $0x80, v3, vm0, $0xb8;
	[tilespmem:$0x10100] =	vst v63  }
0x237: {  	_ = 	snop  }
0x238: {  	[tilespmem:s9], [sflag:$0x1] =	stream.indirect_vreg.gather [hbm4b:s4+s2], $0x80, v3, vm0, $0xb8;
	[tilespmem:$0x10100] =	vst v63  }
0x239: {  	_ =	swait.ge [sflag:s0], $0x8000  }
0x23a: {  	[sflag:s0] =	ssyncset.done $0x0  }
0x23b: {  	s1 =	simm.s32 $0x8100;
	s23 =	rddreg [dreg:$0x1b];
	[sflag:s0] =	ssyncadd.s32 $0xFFFF8000  }
0x23c: {  	[hbm4b:s23+s2] =	stream.linear.scatter [tilespmem:s1], [sflag:$0x3], $0x4000, $0x38;
	[tilespmem:$0x10100] =	vst v63  }
0x23d: {  	_ =	swait.ge [sflag:s6], $0x4000  }
0x23e: {  	[sflag:s6] =	ssyncset.done $0x0  }
0x23f: {  	s24 =	rddreg [dreg:$0x1c];
	[sflag:s6] =	ssyncadd.s32 $0xFFFFC000  }
0x240: {  	[hbm4b:s24+s2] =	stream.linear.scatter [tilespmem:s14], [sflag:$0x3], $0x4000, $0x38;
	[tilespmem:$0x10100] =	vst v63  }
0x241: {  	_ =	swait.ge [sflag:s6], $0x4000  }
0x242: {  	[sflag:s6] =	ssyncset.done $0x0  }
0x243: {  	[sflag:s6] =	ssyncadd.s32 $0xFFFFC000  }
0x244: {  	_ =	swait.ge [sflag:s28], $0x8000  }
0x245: {  	[sflag:s28] =	ssyncset.done $0x0  }
0x246: {  	s25 =	rddreg [dreg:$0x1d];
	[sflag:s28] =	ssyncadd.s32 $0xFFFF8000  }
0x247: {  	[hbm4b:s25+s2] =	stream.linear.scatter [tilespmem:s16], [sflag:$0x3], $0x4000, $0x38;
	[tilespmem:$0x10100] =	vst v63  }
0x248: {  	_ =	swait.ge [sflag:s6], $0x4000  }
0x249: {  	p0 =	sne.s32 s5, $0x1;
	[sflag:s6] =	ssyncset.done $0x0  }
.Ltmp0:
0x24a: {  	s26 =	rddreg [dreg:$0x1e];
	[sflag:s6] =	ssyncadd.s32 $0xFFFFC000;
	(pc) =	sbr.rel @p0 .LBB2_1-.Ltmp0, $4  }
0x24b: {  	[hbm4b:s26+s2] =	stream.linear.scatter [tilespmem:s29], [sflag:$0x3], $0x4000, $0x38;
	[tilespmem:$0x10100] =	vst v63  }
0x24c: {  	_ =	swait.ge [sflag:s6], $0x4000  }
0x24d: {  	[sflag:s6] =	ssyncset.done $0x0  }
0x24e: {  	s5 =	sadd.s32 $0xFFFFFFFF, s5;
	[sflag:s6] =	ssyncadd.s32 $0xFFFFC000  }
0x24f: {  	_ =	sfence.sel $0x180000  }
0x250: {  	[bflag:$0x0] =	sbarrier.arrive $0xFFFF  }
0x251: {  	_ =	strace $0x90000047  }
0x252: {  	s0 =	stileid.u32;
	[bflag:$0x2] =	sbarrier.arrive $0xFFFF  }
0x253: {  	p0 =	sne.s32 s0, $0x0;
	s0 =	rddreg [dreg:$0x2]  }
0x254: {  	s0 =	sadd.s32 @!p0 $0x100000, s0  }
0x255: {  	[sflag:s0] =	ssyncadd.tile.s32 @!p0 $0x1;
	_ =	shalt  }
.Lfunc_end2:
_tile_overlayer_lowered:
.L_overlay_start_2:
0x256: {  	(tag) =	ssettag $0x2  }
0x257: {  	s0 =	rddreg [dreg:$0x0];
	s2 =	stileid.u32  }
0x258: {  	s1 =	rddreg [dreg:$0x1];
	p0 =	sne.s32 s2, $0x0  }
0x259: {  	s3 =	rddreg [dreg:$0x2];
	[bflag:$0x3] =	sbarrier.arrive $0xFFFF;
	s2 =	simm.s32 @!p0 $0x1C03  }
0x25a: {  	[timem:s3], [sflag:s2] =	dma.local @!p0 [hbm:s0], s1  }
0x25b: {  	s0 =	simm.s32 @!p0 $0x3  }
0x25c: {  	_ =	swait.ge @!p0 [sflag:s0], s1  }
0x25d: {  	s1 =	ssub.s32 @!p0 $0x0, s1;
	[sflag:s0] =	ssyncset.done @!p0 $0x0  }
0x25e: {  	[sflag:s0] =	ssyncadd.s32 @!p0 s1  }
0x25f: {  	[bflag:$0x3] =	sbarrier.arrive $0xFFFF  }
0x260: {  	_ =	shalt  }

</sc_bundles>
